<compile_context>
chip_gen: v7x
topology: tpu7x:2x2x1
jax: 0.10.2.dev20260603
libtpu: 0.0.44.dev20260713+nightly
codegen_flags: <defaults>
</compile_context>

<pallas_src>
import functools

import jax
import jax.numpy as jnp
from jax import lax
from jax.experimental import pallas as pl
from jax.experimental.pallas import tpu as pltpu
from jax.experimental.pallas import tpu_sc as plsc

_BATCH = 4
_SEQ = 4096
_DIM = 1024
_NC = 2
_NS = 16
_NW = _NC * _NS
_ROWS_PER_W = _SEQ // _NW
_CHUNK = 32
_NCHUNK = _ROWS_PER_W // _CHUNK
_NBUF = 3


@functools.partial(
    pl.kernel,
    mesh=plsc.VectorSubcoreMesh(core_axis_name="c", subcore_axis_name="s"),
    out_type=jax.ShapeDtypeStruct((_BATCH, _SEQ, _DIM), jnp.float32),
    scratch_types=[
        pltpu.VMEM((_NBUF, _CHUNK, _DIM), jnp.float32),
        pltpu.SemaphoreType.DMA,
        pltpu.SemaphoreType.DMA,
        pltpu.SemaphoreType.DMA,
        pltpu.SemaphoreType.DMA,
    ],
)
def _broadcast_rows(w_hbm, out_hbm, ring, rsem, wsem_0, wsem_1, wsem_2):
    wid = lax.axis_index("s") * _NC + lax.axis_index("c")
    base = wid * _ROWS_PER_W
    wsems = (wsem_0, wsem_1, wsem_2)

    def row_slice(i):
        return pl.ds(base + i * _CHUNK, _CHUNK)

    reads = []
    cp = pltpu.make_async_copy(w_hbm.at[row_slice(0)], ring.at[0], rsem)
    cp.start()
    reads.append(cp)

    writes = []
    for i in range(_NCHUNK):
        slot = i % _NBUF
        nxt = i + 1
        if nxt < _NCHUNK:
            if nxt >= _NBUF:
                for cp in writes[nxt - _NBUF]:
                    cp.wait()
            cp = pltpu.make_async_copy(
                w_hbm.at[row_slice(nxt)], ring.at[nxt % _NBUF], rsem
            )
            cp.start()
            reads.append(cp)
        reads[i].wait()
        cps = [
            pltpu.make_async_copy(ring.at[slot], out_hbm.at[b].at[row_slice(i)], wsems[slot])
            for b in range(_BATCH)
        ]
        for cp in cps:
            cp.start()
        writes.append(cps)
    for i in range(max(0, _NCHUNK - _NBUF), _NCHUNK):
        for cp in writes[i]:
            cp.wait()


def kernel(input, weights):
    del input
    return _broadcast_rows(weights)

# --- scband reference (transcript-rebuilt; emitter-appended) ---
"""Pipeline reference for scband-sin-pe-171798691962 (READ-ONLY COPY).

The authoritative reference and input builder live on the scoring server;
editing this copy changes nothing except your own understanding.
"""

import jax, jax.numpy as jnp
import numpy as np

EMBEDDING_DIM = 1024
PADDING_IDX = None
BATCH = 4
SEQ_LEN = 4096


def get_embedding(num_embeddings, embedding_dim, padding_idx=None):
    """Faithful port of fairseq SinusoidalPositionalEmbedding.get_embedding."""
    half_dim = embedding_dim // 2
    emb_scale = np.log(10000.0) / (half_dim - 1)
    emb = jnp.exp(jnp.arange(half_dim, dtype=jnp.float32) * -emb_scale)
    emb = jnp.arange(num_embeddings, dtype=jnp.float32)[:, None] * emb[None, :]
    emb = jnp.concatenate([jnp.sin(emb), jnp.cos(emb)], axis=1).reshape(num_embeddings, -1)
    if embedding_dim % 2 == 1:
        emb = jnp.concatenate([emb, jnp.zeros((num_embeddings, 1), dtype=jnp.float32)], axis=1)
    if padding_idx is not None:
        emb = emb.at[padding_idx].set(0.0)
    return emb


def setup_inputs(seed: int = 0) -> dict:
    key = jax.random.key(seed)
    k1, _ = jax.random.split(key)
    inp = jax.random.randint(k1, (BATCH, SEQ_LEN), 0, 32000, dtype=jnp.int32)
    # The torch module regrows its buffer to max_pos = 1 + seq_len when
    # seq_len + 1 > init_size (4097 > 1024), so materialize the regrown table.
    weights = get_embedding(1 + SEQ_LEN, EMBEDDING_DIM, PADDING_IDX)
    return {"input": inp, "weights": weights}


def reference(input, weights):
    bsz, seq_len = input.shape
    dim = weights.shape[1]
    # weights[:seq_len].expand(bsz, -1, -1)
    pos = jnp.take(weights, jnp.arange(seq_len), axis=0)
    out = jnp.broadcast_to(pos[None, :, :], (bsz, seq_len, dim))
    return out

if __name__ == "__main__":
    import jax
    _d = setup_inputs()
    print(jax.jit(kernel)(*tuple(_d.values())))

</pallas_src>

<mosaic_0001>
#map = affine_map<(d0, d1) -> (0, 0)>
#map1 = affine_map<(d0, d1) -> (0, 0, 0)>
module attributes {stable_mosaic.version = 14 : i64} {
  func.func @_broadcast_rows(%arg0: i32, %arg1: i32, %arg2: memref<4097x1024xf32, #tpu.memory_space<hbm>>, %arg3: memref<4x4096x1024xf32, #tpu.memory_space<hbm>>, %arg4: memref<3x32x1024xf32, #tpu.memory_space<vmem>>, %arg5: memref<!tpu.dma_semaphore, #tpu.memory_space<semaphore_mem>>, %arg6: memref<!tpu.dma_semaphore, #tpu.memory_space<semaphore_mem>>, %arg7: memref<!tpu.dma_semaphore, #tpu.memory_space<semaphore_mem>>, %arg8: memref<!tpu.dma_semaphore, #tpu.memory_space<semaphore_mem>>) attributes {dimension_semantics = [#tpu.dimension_semantics<core_parallel>, #tpu.dimension_semantics<subcore_parallel>], iteration_bounds = array<i64: 2, 16>, scalar_prefetch = 0 : i64, scratch_operands = 5 : i64, tpu.core_type = #tpu.core_type<sc_vector_subcore>, window_params = [{transform_indices = #map}, {transform_indices = #map1}]} {
    %mul3A = arith.constant 2 : i32
    %mul3A_0 = arith.muli %arg1, %mul3A : i32
    %add3A = arith.addi %mul3A_0, %arg0 : i32
    %mul3A_1 = arith.constant 128 : i32
    %mul3A_2 = arith.muli %add3A, %mul3A_1 : i32
    %add3A_3 = arith.constant 0 : i32
    %add3A_4 = arith.addi %mul3A_2, %add3A_3 : i32
    %dma_start3A = arith.constant 0 : i32
    %dma_start3A_5 = arith.constant 0 : i32
    %dma_start3A_6 = arith.constant 0 : i32
    %dma_start3A_7 = tpu.memref_slice %arg4[%dma_start3A, %dma_start3A_5, %dma_start3A_6] : memref<3x32x1024xf32, #tpu.memory_space<vmem>> -> memref<1x32x1024xf32, #tpu.memory_space<vmem>>
    %dma_start3A_8 = tpu.memref_squeeze %dma_start3A_7 : memref<1x32x1024xf32, #tpu.memory_space<vmem>> -> memref<32x1024xf32, #tpu.memory_space<vmem>>
    %dma_start3A_9 = arith.constant 0 : i32
    %dma_start3A_10 = tpu.memref_slice %arg2[%add3A_4, %dma_start3A_9] : memref<4097x1024xf32, #tpu.memory_space<hbm>> -> memref<32x1024xf32, #tpu.memory_space<hbm>>
    %dma_start3A_11 = arith.constant 0 : i32
    %dma_start3A_12 = arith.constant 0 : i32
    %dma_start3A_13 = tpu.memref_slice %arg4[%dma_start3A, %dma_start3A_11, %dma_start3A_12] : memref<3x32x1024xf32, #tpu.memory_space<vmem>> -> memref<1x32x1024xf32, #tpu.memory_space<vmem>>
    %dma_start3A_14 = tpu.memref_squeeze %dma_start3A_13 : memref<1x32x1024xf32, #tpu.memory_space<vmem>> -> memref<32x1024xf32, #tpu.memory_space<vmem>>
    %dma_start3A_15 = arith.constant 0 : i32
    %dma_start3A_16 = tpu.memref_slice %arg2[%add3A_4, %dma_start3A_15] : memref<4097x1024xf32, #tpu.memory_space<hbm>> -> memref<32x1024xf32, #tpu.memory_space<hbm>>
    tpu.enqueue_dma source(%dma_start3A_16 : memref<32x1024xf32, #tpu.memory_space<hbm>>) target(%dma_start3A_14 : memref<32x1024xf32, #tpu.memory_space<vmem>>) target_semaphore(%arg5 : memref<!tpu.dma_semaphore, #tpu.memory_space<semaphore_mem>>)
    %add3A_17 = arith.constant 32 : i32
    %add3A_18 = arith.addi %mul3A_2, %add3A_17 : i32
    %dma_start3A_19 = arith.constant 1 : i32
    %dma_start3A_20 = arith.constant 0 : i32
    %dma_start3A_21 = arith.constant 0 : i32
    %dma_start3A_22 = tpu.memref_slice %arg4[%dma_start3A_19, %dma_start3A_20, %dma_start3A_21] : memref<3x32x1024xf32, #tpu.memory_space<vmem>> -> memref<1x32x1024xf32, #tpu.memory_space<vmem>>
    %dma_start3A_23 = tpu.memref_squeeze %dma_start3A_22 : memref<1x32x1024xf32, #tpu.memory_space<vmem>> -> memref<32x1024xf32, #tpu.memory_space<vmem>>
    %dma_start3A_24 = arith.constant 0 : i32
    %dma_start3A_25 = tpu.memref_slice %arg2[%add3A_18, %dma_start3A_24] : memref<4097x1024xf32, #tpu.memory_space<hbm>> -> memref<32x1024xf32, #tpu.memory_space<hbm>>
    %dma_start3A_26 = arith.constant 0 : i32
    %dma_start3A_27 = arith.constant 0 : i32
    %dma_start3A_28 = tpu.memref_slice %arg4[%dma_start3A_19, %dma_start3A_26, %dma_start3A_27] : memref<3x32x1024xf32, #tpu.memory_space<vmem>> -> memref<1x32x1024xf32, #tpu.memory_space<vmem>>
    %dma_start3A_29 = tpu.memref_squeeze %dma_start3A_28 : memref<1x32x1024xf32, #tpu.memory_space<vmem>> -> memref<32x1024xf32, #tpu.memory_space<vmem>>
    %dma_start3A_30 = arith.constant 0 : i32
    %dma_start3A_31 = tpu.memref_slice %arg2[%add3A_18, %dma_start3A_30] : memref<4097x1024xf32, #tpu.memory_space<hbm>> -> memref<32x1024xf32, #tpu.memory_space<hbm>>
    tpu.enqueue_dma source(%dma_start3A_31 : memref<32x1024xf32, #tpu.memory_space<hbm>>) target(%dma_start3A_29 : memref<32x1024xf32, #tpu.memory_space<vmem>>) target_semaphore(%arg5 : memref<!tpu.dma_semaphore, #tpu.memory_space<semaphore_mem>>)
    %dma_wait3A = arith.constant 0 : i32
    %dma_wait3A_32 = arith.constant 0 : i32
    %dma_wait3A_33 = arith.constant 0 : i32
    %dma_wait3A_34 = tpu.memref_slice %arg4[%dma_wait3A, %dma_wait3A_32, %dma_wait3A_33] : memref<3x32x1024xf32, #tpu.memory_space<vmem>> -> memref<1x32x1024xf32, #tpu.memory_space<vmem>>
    %dma_wait3A_35 = tpu.memref_squeeze %dma_wait3A_34 : memref<1x32x1024xf32, #tpu.memory_space<vmem>> -> memref<32x1024xf32, #tpu.memory_space<vmem>>
    %dma_wait3A_36 = arith.constant 0 : i32
    %dma_wait3A_37 = tpu.memref_slice %arg2[%add3A_4, %dma_wait3A_36] : memref<4097x1024xf32, #tpu.memory_space<hbm>> -> memref<32x1024xf32, #tpu.memory_space<hbm>>
    %dma_wait3A_38 = arith.constant 0 : i32
    %dma_wait3A_39 = arith.constant 0 : i32
    %dma_wait3A_40 = tpu.memref_slice %arg4[%dma_wait3A, %dma_wait3A_38, %dma_wait3A_39] : memref<3x32x1024xf32, #tpu.memory_space<vmem>> -> memref<1x32x1024xf32, #tpu.memory_space<vmem>>
    %dma_wait3A_41 = tpu.memref_squeeze %dma_wait3A_40 : memref<1x32x1024xf32, #tpu.memory_space<vmem>> -> memref<32x1024xf32, #tpu.memory_space<vmem>>
    %dma_wait3A_42 = arith.constant 0 : i32
    %dma_wait3A_43 = tpu.memref_slice %arg2[%add3A_4, %dma_wait3A_42] : memref<4097x1024xf32, #tpu.memory_space<hbm>> -> memref<32x1024xf32, #tpu.memory_space<hbm>>
    tpu.wait_dma2 semaphore(%arg5 : memref<!tpu.dma_semaphore, #tpu.memory_space<semaphore_mem>>) src(%dma_wait3A_43 : memref<32x1024xf32, #tpu.memory_space<hbm>>) dst(%dma_wait3A_41 : memref<32x1024xf32, #tpu.memory_space<vmem>>)
    %add3A_44 = arith.constant 0 : i32
    %add3A_45 = arith.addi %mul3A_2, %add3A_44 : i32
    %add3A_46 = arith.constant 0 : i32
    %add3A_47 = arith.addi %mul3A_2, %add3A_46 : i32
    %add3A_48 = arith.constant 0 : i32
    %add3A_49 = arith.addi %mul3A_2, %add3A_48 : i32
    %add3A_50 = arith.constant 0 : i32
    %add3A_51 = arith.addi %mul3A_2, %add3A_50 : i32
    %dma_start3A_52 = arith.constant 0 : i32
    %dma_start3A_53 = arith.constant 0 : i32
    %dma_start3A_54 = arith.constant 0 : i32
    %dma_start3A_55 = arith.constant 0 : i32
    %dma_start3A_56 = tpu.memref_slice %arg4[%dma_start3A_52, %dma_start3A_54, %dma_start3A_55] : memref<3x32x1024xf32, #tpu.memory_space<vmem>> -> memref<1x32x1024xf32, #tpu.memory_space<vmem>>
    %dma_start3A_57 = tpu.memref_squeeze %dma_start3A_56 : memref<1x32x1024xf32, #tpu.memory_space<vmem>> -> memref<32x1024xf32, #tpu.memory_space<vmem>>
    %dma_start3A_58 = arith.constant 0 : i32
    %dma_start3A_59 = arith.constant 0 : i32
    %dma_start3A_60 = tpu.memref_slice %arg3[%dma_start3A_53, %dma_start3A_58, %dma_start3A_59] : memref<4x4096x1024xf32, #tpu.memory_space<hbm>> -> memref<1x4096x1024xf32, #tpu.memory_space<hbm>>
    %dma_start3A_61 = tpu.memref_squeeze %dma_start3A_60 : memref<1x4096x1024xf32, #tpu.memory_space<hbm>> -> memref<4096x1024xf32, #tpu.memory_space<hbm>>
    %dma_start3A_62 = arith.constant 0 : i32
    %dma_start3A_63 = tpu.memref_slice %dma_start3A_61[%add3A_45, %dma_start3A_62] : memref<4096x1024xf32, #tpu.memory_space<hbm>> -> memref<32x1024xf32, #tpu.memory_space<hbm>>
    %dma_start3A_64 = arith.constant 0 : i32
    %dma_start3A_65 = arith.constant 0 : i32
    %dma_start3A_66 = tpu.memref_slice %arg3[%dma_start3A_53, %dma_start3A_64, %dma_start3A_65] : memref<4x4096x1024xf32, #tpu.memory_space<hbm>> -> memref<1x4096x1024xf32, #tpu.memory_space<hbm>>
    %dma_start3A_67 = tpu.memref_squeeze %dma_start3A_66 : memref<1x4096x1024xf32, #tpu.memory_space<hbm>> -> memref<4096x1024xf32, #tpu.memory_space<hbm>>
    %dma_start3A_68 = arith.constant 0 : i32
    %dma_start3A_69 = tpu.memref_slice %dma_start3A_67[%add3A_45, %dma_start3A_68] : memref<4096x1024xf32, #tpu.memory_space<hbm>> -> memref<32x1024xf32, #tpu.memory_space<hbm>>
    %dma_start3A_70 = arith.constant 0 : i32
    %dma_start3A_71 = arith.constant 0 : i32
    %dma_start3A_72 = tpu.memref_slice %arg4[%dma_start3A_52, %dma_start3A_70, %dma_start3A_71] : memref<3x32x1024xf32, #tpu.memory_space<vmem>> -> memref<1x32x1024xf32, #tpu.memory_space<vmem>>
    %dma_start3A_73 = tpu.memref_squeeze %dma_start3A_72 : memref<1x32x1024xf32, #tpu.memory_space<vmem>> -> memref<32x1024xf32, #tpu.memory_space<vmem>>
    tpu.enqueue_dma source(%dma_start3A_73 : memref<32x1024xf32, #tpu.memory_space<vmem>>) target(%dma_start3A_69 : memref<32x1024xf32, #tpu.memory_space<hbm>>) target_semaphore(%arg6 : memref<!tpu.dma_semaphore, #tpu.memory_space<semaphore_mem>>)
    %dma_start3A_74 = arith.constant 0 : i32
    %dma_start3A_75 = arith.constant 1 : i32
    %dma_start3A_76 = arith.constant 0 : i32
    %dma_start3A_77 = arith.constant 0 : i32
    %dma_start3A_78 = tpu.memref_slice %arg4[%dma_start3A_74, %dma_start3A_76, %dma_start3A_77] : memref<3x32x1024xf32, #tpu.memory_space<vmem>> -> memref<1x32x1024xf32, #tpu.memory_space<vmem>>
    %dma_start3A_79 = tpu.memref_squeeze %dma_start3A_78 : memref<1x32x1024xf32, #tpu.memory_space<vmem>> -> memref<32x1024xf32, #tpu.memory_space<vmem>>
    %dma_start3A_80 = arith.constant 0 : i32
    %dma_start3A_81 = arith.constant 0 : i32
    %dma_start3A_82 = tpu.memref_slice %arg3[%dma_start3A_75, %dma_start3A_80, %dma_start3A_81] : memref<4x4096x1024xf32, #tpu.memory_space<hbm>> -> memref<1x4096x1024xf32, #tpu.memory_space<hbm>>
    %dma_start3A_83 = tpu.memref_squeeze %dma_start3A_82 : memref<1x4096x1024xf32, #tpu.memory_space<hbm>> -> memref<4096x1024xf32, #tpu.memory_space<hbm>>
    %dma_start3A_84 = arith.constant 0 : i32
    %dma_start3A_85 = tpu.memref_slice %dma_start3A_83[%add3A_47, %dma_start3A_84] : memref<4096x1024xf32, #tpu.memory_space<hbm>> -> memref<32x1024xf32, #tpu.memory_space<hbm>>
    %dma_start3A_86 = arith.constant 0 : i32
    %dma_start3A_87 = arith.constant 0 : i32
    %dma_start3A_88 = tpu.memref_slice %arg3[%dma_start3A_75, %dma_start3A_86, %dma_start3A_87] : memref<4x4096x1024xf32, #tpu.memory_space<hbm>> -> memref<1x4096x1024xf32, #tpu.memory_space<hbm>>
    %dma_start3A_89 = tpu.memref_squeeze %dma_start3A_88 : memref<1x4096x1024xf32, #tpu.memory_space<hbm>> -> memref<4096x1024xf32, #tpu.memory_space<hbm>>
    %dma_start3A_90 = arith.constant 0 : i32
    %dma_start3A_91 = tpu.memref_slice %dma_start3A_89[%add3A_47, %dma_start3A_90] : memref<4096x1024xf32, #tpu.memory_space<hbm>> -> memref<32x1024xf32, #tpu.memory_space<hbm>>
    %dma_start3A_92 = arith.constant 0 : i32
    %dma_start3A_93 = arith.constant 0 : i32
    %dma_start3A_94 = tpu.memref_slice %arg4[%dma_start3A_74, %dma_start3A_92, %dma_start3A_93] : memref<3x32x1024xf32, #tpu.memory_space<vmem>> -> memref<1x32x1024xf32, #tpu.memory_space<vmem>>
    %dma_start3A_95 = tpu.memref_squeeze %dma_start3A_94 : memref<1x32x1024xf32, #tpu.memory_space<vmem>> -> memref<32x1024xf32, #tpu.memory_space<vmem>>
    tpu.enqueue_dma source(%dma_start3A_95 : memref<32x1024xf32, #tpu.memory_space<vmem>>) target(%dma_start3A_91 : memref<32x1024xf32, #tpu.memory_space<hbm>>) target_semaphore(%arg6 : memref<!tpu.dma_semaphore, #tpu.memory_space<semaphore_mem>>)
    %dma_start3A_96 = arith.constant 0 : i32
    %dma_start3A_97 = arith.constant 2 : i32
    %dma_start3A_98 = arith.constant 0 : i32
    %dma_start3A_99 = arith.constant 0 : i32
    %dma_start3A_100 = tpu.memref_slice %arg4[%dma_start3A_96, %dma_start3A_98, %dma_start3A_99] : memref<3x32x1024xf32, #tpu.memory_space<vmem>> -> memref<1x32x1024xf32, #tpu.memory_space<vmem>>
    %dma_start3A_101 = tpu.memref_squeeze %dma_start3A_100 : memref<1x32x1024xf32, #tpu.memory_space<vmem>> -> memref<32x1024xf32, #tpu.memory_space<vmem>>
    %dma_start3A_102 = arith.constant 0 : i32
    %dma_start3A_103 = arith.constant 0 : i32
    %dma_start3A_104 = tpu.memref_slice %arg3[%dma_start3A_97, %dma_start3A_102, %dma_start3A_103] : memref<4x4096x1024xf32, #tpu.memory_space<hbm>> -> memref<1x4096x1024xf32, #tpu.memory_space<hbm>>
    %dma_start3A_105 = tpu.memref_squeeze %dma_start3A_104 : memref<1x4096x1024xf32, #tpu.memory_space<hbm>> -> memref<4096x1024xf32, #tpu.memory_space<hbm>>
    %dma_start3A_106 = arith.constant 0 : i32
    %dma_start3A_107 = tpu.memref_slice %dma_start3A_105[%add3A_49, %dma_start3A_106] : memref<4096x1024xf32, #tpu.memory_space<hbm>> -> memref<32x1024xf32, #tpu.memory_space<hbm>>
    %dma_start3A_108 = arith.constant 0 : i32
    %dma_start3A_109 = arith.constant 0 : i32
    %dma_start3A_110 = tpu.memref_slice %arg3[%dma_start3A_97, %dma_start3A_108, %dma_start3A_109] : memref<4x4096x1024xf32, #tpu.memory_space<hbm>> -> memref<1x4096x1024xf32, #tpu.memory_space<hbm>>
    %dma_start3A_111 = tpu.memref_squeeze %dma_start3A_110 : memref<1x4096x1024xf32, #tpu.memory_space<hbm>> -> memref<4096x1024xf32, #tpu.memory_space<hbm>>
    %dma_start3A_112 = arith.constant 0 : i32
    %dma_start3A_113 = tpu.memref_slice %dma_start3A_111[%add3A_49, %dma_start3A_112] : memref<4096x1024xf32, #tpu.memory_space<hbm>> -> memref<32x1024xf32, #tpu.memory_space<hbm>>
    %dma_start3A_114 = arith.constant 0 : i32
    %dma_start3A_115 = arith.constant 0 : i32
    %dma_start3A_116 = tpu.memref_slice %arg4[%dma_start3A_96, %dma_start3A_114, %dma_start3A_115] : memref<3x32x1024xf32, #tpu.memory_space<vmem>> -> memref<1x32x1024xf32, #tpu.memory_space<vmem>>
    %dma_start3A_117 = tpu.memref_squeeze %dma_start3A_116 : memref<1x32x1024xf32, #tpu.memory_space<vmem>> -> memref<32x1024xf32, #tpu.memory_space<vmem>>
    tpu.enqueue_dma source(%dma_start3A_117 : memref<32x1024xf32, #tpu.memory_space<vmem>>) target(%dma_start3A_113 : memref<32x1024xf32, #tpu.memory_space<hbm>>) target_semaphore(%arg6 : memref<!tpu.dma_semaphore, #tpu.memory_space<semaphore_mem>>)
    %dma_start3A_118 = arith.constant 0 : i32
    %dma_start3A_119 = arith.constant 3 : i32
    %dma_start3A_120 = arith.constant 0 : i32
    %dma_start3A_121 = arith.constant 0 : i32
    %dma_start3A_122 = tpu.memref_slice %arg4[%dma_start3A_118, %dma_start3A_120, %dma_start3A_121] : memref<3x32x1024xf32, #tpu.memory_space<vmem>> -> memref<1x32x1024xf32, #tpu.memory_space<vmem>>
    %dma_start3A_123 = tpu.memref_squeeze %dma_start3A_122 : memref<1x32x1024xf32, #tpu.memory_space<vmem>> -> memref<32x1024xf32, #tpu.memory_space<vmem>>
    %dma_start3A_124 = arith.constant 0 : i32
    %dma_start3A_125 = arith.constant 0 : i32
    %dma_start3A_126 = tpu.memref_slice %arg3[%dma_start3A_119, %dma_start3A_124, %dma_start3A_125] : memref<4x4096x1024xf32, #tpu.memory_space<hbm>> -> memref<1x4096x1024xf32, #tpu.memory_space<hbm>>
    %dma_start3A_127 = tpu.memref_squeeze %dma_start3A_126 : memref<1x4096x1024xf32, #tpu.memory_space<hbm>> -> memref<4096x1024xf32, #tpu.memory_space<hbm>>
    %dma_start3A_128 = arith.constant 0 : i32
    %dma_start3A_129 = tpu.memref_slice %dma_start3A_127[%add3A_51, %dma_start3A_128] : memref<4096x1024xf32, #tpu.memory_space<hbm>> -> memref<32x1024xf32, #tpu.memory_space<hbm>>
    %dma_start3A_130 = arith.constant 0 : i32
    %dma_start3A_131 = arith.constant 0 : i32
    %dma_start3A_132 = tpu.memref_slice %arg3[%dma_start3A_119, %dma_start3A_130, %dma_start3A_131] : memref<4x4096x1024xf32, #tpu.memory_space<hbm>> -> memref<1x4096x1024xf32, #tpu.memory_space<hbm>>
    %dma_start3A_133 = tpu.memref_squeeze %dma_start3A_132 : memref<1x4096x1024xf32, #tpu.memory_space<hbm>> -> memref<4096x1024xf32, #tpu.memory_space<hbm>>
    %dma_start3A_134 = arith.constant 0 : i32
    %dma_start3A_135 = tpu.memref_slice %dma_start3A_133[%add3A_51, %dma_start3A_134] : memref<4096x1024xf32, #tpu.memory_space<hbm>> -> memref<32x1024xf32, #tpu.memory_space<hbm>>
    %dma_start3A_136 = arith.constant 0 : i32
    %dma_start3A_137 = arith.constant 0 : i32
    %dma_start3A_138 = tpu.memref_slice %arg4[%dma_start3A_118, %dma_start3A_136, %dma_start3A_137] : memref<3x32x1024xf32, #tpu.memory_space<vmem>> -> memref<1x32x1024xf32, #tpu.memory_space<vmem>>
    %dma_start3A_139 = tpu.memref_squeeze %dma_start3A_138 : memref<1x32x1024xf32, #tpu.memory_space<vmem>> -> memref<32x1024xf32, #tpu.memory_space<vmem>>
    tpu.enqueue_dma source(%dma_start3A_139 : memref<32x1024xf32, #tpu.memory_space<vmem>>) target(%dma_start3A_135 : memref<32x1024xf32, #tpu.memory_space<hbm>>) target_semaphore(%arg6 : memref<!tpu.dma_semaphore, #tpu.memory_space<semaphore_mem>>)
    %add3A_140 = arith.constant 64 : i32
    %add3A_141 = arith.addi %mul3A_2, %add3A_140 : i32
    %dma_start3A_142 = arith.constant 2 : i32
    %dma_start3A_143 = arith.constant 0 : i32
    %dma_start3A_144 = arith.constant 0 : i32
    %dma_start3A_145 = tpu.memref_slice %arg4[%dma_start3A_142, %dma_start3A_143, %dma_start3A_144] : memref<3x32x1024xf32, #tpu.memory_space<vmem>> -> memref<1x32x1024xf32, #tpu.memory_space<vmem>>
    %dma_start3A_146 = tpu.memref_squeeze %dma_start3A_145 : memref<1x32x1024xf32, #tpu.memory_space<vmem>> -> memref<32x1024xf32, #tpu.memory_space<vmem>>
    %dma_start3A_147 = arith.constant 0 : i32
    %dma_start3A_148 = tpu.memref_slice %arg2[%add3A_141, %dma_start3A_147] : memref<4097x1024xf32, #tpu.memory_space<hbm>> -> memref<32x1024xf32, #tpu.memory_space<hbm>>
    %dma_start3A_149 = arith.constant 0 : i32
    %dma_start3A_150 = arith.constant 0 : i32
    %dma_start3A_151 = tpu.memref_slice %arg4[%dma_start3A_142, %dma_start3A_149, %dma_start3A_150] : memref<3x32x1024xf32, #tpu.memory_space<vmem>> -> memref<1x32x1024xf32, #tpu.memory_space<vmem>>
    %dma_start3A_152 = tpu.memref_squeeze %dma_start3A_151 : memref<1x32x1024xf32, #tpu.memory_space<vmem>> -> memref<32x1024xf32, #tpu.memory_space<vmem>>
    %dma_start3A_153 = arith.constant 0 : i32
    %dma_start3A_154 = tpu.memref_slice %arg2[%add3A_141, %dma_start3A_153] : memref<4097x1024xf32, #tpu.memory_space<hbm>> -> memref<32x1024xf32, #tpu.memory_space<hbm>>
    tpu.enqueue_dma source(%dma_start3A_154 : memref<32x1024xf32, #tpu.memory_space<hbm>>) target(%dma_start3A_152 : memref<32x1024xf32, #tpu.memory_space<vmem>>) target_semaphore(%arg5 : memref<!tpu.dma_semaphore, #tpu.memory_space<semaphore_mem>>)
    %dma_wait3A_155 = arith.constant 1 : i32
    %dma_wait3A_156 = arith.constant 0 : i32
    %dma_wait3A_157 = arith.constant 0 : i32
    %dma_wait3A_158 = tpu.memref_slice %arg4[%dma_wait3A_155, %dma_wait3A_156, %dma_wait3A_157] : memref<3x32x1024xf32, #tpu.memory_space<vmem>> -> memref<1x32x1024xf32, #tpu.memory_space<vmem>>
    %dma_wait3A_159 = tpu.memref_squeeze %dma_wait3A_158 : memref<1x32x1024xf32, #tpu.memory_space<vmem>> -> memref<32x1024xf32, #tpu.memory_space<vmem>>
    %dma_wait3A_160 = arith.constant 0 : i32
    %dma_wait3A_161 = tpu.memref_slice %arg2[%add3A_18, %dma_wait3A_160] : memref<4097x1024xf32, #tpu.memory_space<hbm>> -> memref<32x1024xf32, #tpu.memory_space<hbm>>
    %dma_wait3A_162 = arith.constant 0 : i32
    %dma_wait3A_163 = arith.constant 0 : i32
    %dma_wait3A_164 = tpu.memref_slice %arg4[%dma_wait3A_155, %dma_wait3A_162, %dma_wait3A_163] : memref<3x32x1024xf32, #tpu.memory_space<vmem>> -> memref<1x32x1024xf32, #tpu.memory_space<vmem>>
    %dma_wait3A_165 = tpu.memref_squeeze %dma_wait3A_164 : memref<1x32x1024xf32, #tpu.memory_space<vmem>> -> memref<32x1024xf32, #tpu.memory_space<vmem>>
    %dma_wait3A_166 = arith.constant 0 : i32
    %dma_wait3A_167 = tpu.memref_slice %arg2[%add3A_18, %dma_wait3A_166] : memref<4097x1024xf32, #tpu.memory_space<hbm>> -> memref<32x1024xf32, #tpu.memory_space<hbm>>
    tpu.wait_dma2 semaphore(%arg5 : memref<!tpu.dma_semaphore, #tpu.memory_space<semaphore_mem>>) src(%dma_wait3A_167 : memref<32x1024xf32, #tpu.memory_space<hbm>>) dst(%dma_wait3A_165 : memref<32x1024xf32, #tpu.memory_space<vmem>>)
    %add3A_168 = arith.constant 32 : i32
    %add3A_169 = arith.addi %mul3A_2, %add3A_168 : i32
    %add3A_170 = arith.constant 32 : i32
    %add3A_171 = arith.addi %mul3A_2, %add3A_170 : i32
    %add3A_172 = arith.constant 32 : i32
    %add3A_173 = arith.addi %mul3A_2, %add3A_172 : i32
    %add3A_174 = arith.constant 32 : i32
    %add3A_175 = arith.addi %mul3A_2, %add3A_174 : i32
    %dma_start3A_176 = arith.constant 1 : i32
    %dma_start3A_177 = arith.constant 0 : i32
    %dma_start3A_178 = arith.constant 0 : i32
    %dma_start3A_179 = arith.constant 0 : i32
    %dma_start3A_180 = tpu.memref_slice %arg4[%dma_start3A_176, %dma_start3A_178, %dma_start3A_179] : memref<3x32x1024xf32, #tpu.memory_space<vmem>> -> memref<1x32x1024xf32, #tpu.memory_space<vmem>>
    %dma_start3A_181 = tpu.memref_squeeze %dma_start3A_180 : memref<1x32x1024xf32, #tpu.memory_space<vmem>> -> memref<32x1024xf32, #tpu.memory_space<vmem>>
    %dma_start3A_182 = arith.constant 0 : i32
    %dma_start3A_183 = arith.constant 0 : i32
    %dma_start3A_184 = tpu.memref_slice %arg3[%dma_start3A_177, %dma_start3A_182, %dma_start3A_183] : memref<4x4096x1024xf32, #tpu.memory_space<hbm>> -> memref<1x4096x1024xf32, #tpu.memory_space<hbm>>
    %dma_start3A_185 = tpu.memref_squeeze %dma_start3A_184 : memref<1x4096x1024xf32, #tpu.memory_space<hbm>> -> memref<4096x1024xf32, #tpu.memory_space<hbm>>
    %dma_start3A_186 = arith.constant 0 : i32
    %dma_start3A_187 = tpu.memref_slice %dma_start3A_185[%add3A_169, %dma_start3A_186] : memref<4096x1024xf32, #tpu.memory_space<hbm>> -> memref<32x1024xf32, #tpu.memory_space<hbm>>
    %dma_start3A_188 = arith.constant 0 : i32
    %dma_start3A_189 = arith.constant 0 : i32
    %dma_start3A_190 = tpu.memref_slice %arg3[%dma_start3A_177, %dma_start3A_188, %dma_start3A_189] : memref<4x4096x1024xf32, #tpu.memory_space<hbm>> -> memref<1x4096x1024xf32, #tpu.memory_space<hbm>>
    %dma_start3A_191 = tpu.memref_squeeze %dma_start3A_190 : memref<1x4096x1024xf32, #tpu.memory_space<hbm>> -> memref<4096x1024xf32, #tpu.memory_space<hbm>>
    %dma_start3A_192 = arith.constant 0 : i32
    %dma_start3A_193 = tpu.memref_slice %dma_start3A_191[%add3A_169, %dma_start3A_192] : memref<4096x1024xf32, #tpu.memory_space<hbm>> -> memref<32x1024xf32, #tpu.memory_space<hbm>>
    %dma_start3A_194 = arith.constant 0 : i32
    %dma_start3A_195 = arith.constant 0 : i32
    %dma_start3A_196 = tpu.memref_slice %arg4[%dma_start3A_176, %dma_start3A_194, %dma_start3A_195] : memref<3x32x1024xf32, #tpu.memory_space<vmem>> -> memref<1x32x1024xf32, #tpu.memory_space<vmem>>
    %dma_start3A_197 = tpu.memref_squeeze %dma_start3A_196 : memref<1x32x1024xf32, #tpu.memory_space<vmem>> -> memref<32x1024xf32, #tpu.memory_space<vmem>>
    tpu.enqueue_dma source(%dma_start3A_197 : memref<32x1024xf32, #tpu.memory_space<vmem>>) target(%dma_start3A_193 : memref<32x1024xf32, #tpu.memory_space<hbm>>) target_semaphore(%arg7 : memref<!tpu.dma_semaphore, #tpu.memory_space<semaphore_mem>>)
    %dma_start3A_198 = arith.constant 1 : i32
    %dma_start3A_199 = arith.constant 1 : i32
    %dma_start3A_200 = arith.constant 0 : i32
    %dma_start3A_201 = arith.constant 0 : i32
    %dma_start3A_202 = tpu.memref_slice %arg4[%dma_start3A_198, %dma_start3A_200, %dma_start3A_201] : memref<3x32x1024xf32, #tpu.memory_space<vmem>> -> memref<1x32x1024xf32, #tpu.memory_space<vmem>>
    %dma_start3A_203 = tpu.memref_squeeze %dma_start3A_202 : memref<1x32x1024xf32, #tpu.memory_space<vmem>> -> memref<32x1024xf32, #tpu.memory_space<vmem>>
    %dma_start3A_204 = arith.constant 0 : i32
    %dma_start3A_205 = arith.constant 0 : i32
    %dma_start3A_206 = tpu.memref_slice %arg3[%dma_start3A_199, %dma_start3A_204, %dma_start3A_205] : memref<4x4096x1024xf32, #tpu.memory_space<hbm>> -> memref<1x4096x1024xf32, #tpu.memory_space<hbm>>
    %dma_start3A_207 = tpu.memref_squeeze %dma_start3A_206 : memref<1x4096x1024xf32, #tpu.memory_space<hbm>> -> memref<4096x1024xf32, #tpu.memory_space<hbm>>
    %dma_start3A_208 = arith.constant 0 : i32
    %dma_start3A_209 = tpu.memref_slice %dma_start3A_207[%add3A_171, %dma_start3A_208] : memref<4096x1024xf32, #tpu.memory_space<hbm>> -> memref<32x1024xf32, #tpu.memory_space<hbm>>
    %dma_start3A_210 = arith.constant 0 : i32
    %dma_start3A_211 = arith.constant 0 : i32
    %dma_start3A_212 = tpu.memref_slice %arg3[%dma_start3A_199, %dma_start3A_210, %dma_start3A_211] : memref<4x4096x1024xf32, #tpu.memory_space<hbm>> -> memref<1x4096x1024xf32, #tpu.memory_space<hbm>>
    %dma_start3A_213 = tpu.memref_squeeze %dma_start3A_212 : memref<1x4096x1024xf32, #tpu.memory_space<hbm>> -> memref<4096x1024xf32, #tpu.memory_space<hbm>>
    %dma_start3A_214 = arith.constant 0 : i32
    %dma_start3A_215 = tpu.memref_slice %dma_start3A_213[%add3A_171, %dma_start3A_214] : memref<4096x1024xf32, #tpu.memory_space<hbm>> -> memref<32x1024xf32, #tpu.memory_space<hbm>>
    %dma_start3A_216 = arith.constant 0 : i32
    %dma_start3A_217 = arith.constant 0 : i32
    %dma_start3A_218 = tpu.memref_slice %arg4[%dma_start3A_198, %dma_start3A_216, %dma_start3A_217] : memref<3x32x1024xf32, #tpu.memory_space<vmem>> -> memref<1x32x1024xf32, #tpu.memory_space<vmem>>
    %dma_start3A_219 = tpu.memref_squeeze %dma_start3A_218 : memref<1x32x1024xf32, #tpu.memory_space<vmem>> -> memref<32x1024xf32, #tpu.memory_space<vmem>>
    tpu.enqueue_dma source(%dma_start3A_219 : memref<32x1024xf32, #tpu.memory_space<vmem>>) target(%dma_start3A_215 : memref<32x1024xf32, #tpu.memory_space<hbm>>) target_semaphore(%arg7 : memref<!tpu.dma_semaphore, #tpu.memory_space<semaphore_mem>>)
    %dma_start3A_220 = arith.constant 1 : i32
    %dma_start3A_221 = arith.constant 2 : i32
    %dma_start3A_222 = arith.constant 0 : i32
    %dma_start3A_223 = arith.constant 0 : i32
    %dma_start3A_224 = tpu.memref_slice %arg4[%dma_start3A_220, %dma_start3A_222, %dma_start3A_223] : memref<3x32x1024xf32, #tpu.memory_space<vmem>> -> memref<1x32x1024xf32, #tpu.memory_space<vmem>>
    %dma_start3A_225 = tpu.memref_squeeze %dma_start3A_224 : memref<1x32x1024xf32, #tpu.memory_space<vmem>> -> memref<32x1024xf32, #tpu.memory_space<vmem>>
    %dma_start3A_226 = arith.constant 0 : i32
    %dma_start3A_227 = arith.constant 0 : i32
    %dma_start3A_228 = tpu.memref_slice %arg3[%dma_start3A_221, %dma_start3A_226, %dma_start3A_227] : memref<4x4096x1024xf32, #tpu.memory_space<hbm>> -> memref<1x4096x1024xf32, #tpu.memory_space<hbm>>
    %dma_start3A_229 = tpu.memref_squeeze %dma_start3A_228 : memref<1x4096x1024xf32, #tpu.memory_space<hbm>> -> memref<4096x1024xf32, #tpu.memory_space<hbm>>
    %dma_start3A_230 = arith.constant 0 : i32
    %dma_start3A_231 = tpu.memref_slice %dma_start3A_229[%add3A_173, %dma_start3A_230] : memref<4096x1024xf32, #tpu.memory_space<hbm>> -> memref<32x1024xf32, #tpu.memory_space<hbm>>
    %dma_start3A_232 = arith.constant 0 : i32
    %dma_start3A_233 = arith.constant 0 : i32
    %dma_start3A_234 = tpu.memref_slice %arg3[%dma_start3A_221, %dma_start3A_232, %dma_start3A_233] : memref<4x4096x1024xf32, #tpu.memory_space<hbm>> -> memref<1x4096x1024xf32, #tpu.memory_space<hbm>>
    %dma_start3A_235 = tpu.memref_squeeze %dma_start3A_234 : memref<1x4096x1024xf32, #tpu.memory_space<hbm>> -> memref<4096x1024xf32, #tpu.memory_space<hbm>>
    %dma_start3A_236 = arith.constant 0 : i32
    %dma_start3A_237 = tpu.memref_slice %dma_start3A_235[%add3A_173, %dma_start3A_236] : memref<4096x1024xf32, #tpu.memory_space<hbm>> -> memref<32x1024xf32, #tpu.memory_space<hbm>>
    %dma_start3A_238 = arith.constant 0 : i32
    %dma_start3A_239 = arith.constant 0 : i32
    %dma_start3A_240 = tpu.memref_slice %arg4[%dma_start3A_220, %dma_start3A_238, %dma_start3A_239] : memref<3x32x1024xf32, #tpu.memory_space<vmem>> -> memref<1x32x1024xf32, #tpu.memory_space<vmem>>
    %dma_start3A_241 = tpu.memref_squeeze %dma_start3A_240 : memref<1x32x1024xf32, #tpu.memory_space<vmem>> -> memref<32x1024xf32, #tpu.memory_space<vmem>>
    tpu.enqueue_dma source(%dma_start3A_241 : memref<32x1024xf32, #tpu.memory_space<vmem>>) target(%dma_start3A_237 : memref<32x1024xf32, #tpu.memory_space<hbm>>) target_semaphore(%arg7 : memref<!tpu.dma_semaphore, #tpu.memory_space<semaphore_mem>>)
    %dma_start3A_242 = arith.constant 1 : i32
    %dma_start3A_243 = arith.constant 3 : i32
    %dma_start3A_244 = arith.constant 0 : i32
    %dma_start3A_245 = arith.constant 0 : i32
    %dma_start3A_246 = tpu.memref_slice %arg4[%dma_start3A_242, %dma_start3A_244, %dma_start3A_245] : memref<3x32x1024xf32, #tpu.memory_space<vmem>> -> memref<1x32x1024xf32, #tpu.memory_space<vmem>>
    %dma_start3A_247 = tpu.memref_squeeze %dma_start3A_246 : memref<1x32x1024xf32, #tpu.memory_space<vmem>> -> memref<32x1024xf32, #tpu.memory_space<vmem>>
    %dma_start3A_248 = arith.constant 0 : i32
    %dma_start3A_249 = arith.constant 0 : i32
    %dma_start3A_250 = tpu.memref_slice %arg3[%dma_start3A_243, %dma_start3A_248, %dma_start3A_249] : memref<4x4096x1024xf32, #tpu.memory_space<hbm>> -> memref<1x4096x1024xf32, #tpu.memory_space<hbm>>
    %dma_start3A_251 = tpu.memref_squeeze %dma_start3A_250 : memref<1x4096x1024xf32, #tpu.memory_space<hbm>> -> memref<4096x1024xf32, #tpu.memory_space<hbm>>
    %dma_start3A_252 = arith.constant 0 : i32
    %dma_start3A_253 = tpu.memref_slice %dma_start3A_251[%add3A_175, %dma_start3A_252] : memref<4096x1024xf32, #tpu.memory_space<hbm>> -> memref<32x1024xf32, #tpu.memory_space<hbm>>
    %dma_start3A_254 = arith.constant 0 : i32
    %dma_start3A_255 = arith.constant 0 : i32
    %dma_start3A_256 = tpu.memref_slice %arg3[%dma_start3A_243, %dma_start3A_254, %dma_start3A_255] : memref<4x4096x1024xf32, #tpu.memory_space<hbm>> -> memref<1x4096x1024xf32, #tpu.memory_space<hbm>>
    %dma_start3A_257 = tpu.memref_squeeze %dma_start3A_256 : memref<1x4096x1024xf32, #tpu.memory_space<hbm>> -> memref<4096x1024xf32, #tpu.memory_space<hbm>>
    %dma_start3A_258 = arith.constant 0 : i32
    %dma_start3A_259 = tpu.memref_slice %dma_start3A_257[%add3A_175, %dma_start3A_258] : memref<4096x1024xf32, #tpu.memory_space<hbm>> -> memref<32x1024xf32, #tpu.memory_space<hbm>>
    %dma_start3A_260 = arith.constant 0 : i32
    %dma_start3A_261 = arith.constant 0 : i32
    %dma_start3A_262 = tpu.memref_slice %arg4[%dma_start3A_242, %dma_start3A_260, %dma_start3A_261] : memref<3x32x1024xf32, #tpu.memory_space<vmem>> -> memref<1x32x1024xf32, #tpu.memory_space<vmem>>
    %dma_start3A_263 = tpu.memref_squeeze %dma_start3A_262 : memref<1x32x1024xf32, #tpu.memory_space<vmem>> -> memref<32x1024xf32, #tpu.memory_space<vmem>>
    tpu.enqueue_dma source(%dma_start3A_263 : memref<32x1024xf32, #tpu.memory_space<vmem>>) target(%dma_start3A_259 : memref<32x1024xf32, #tpu.memory_space<hbm>>) target_semaphore(%arg7 : memref<!tpu.dma_semaphore, #tpu.memory_space<semaphore_mem>>)
    %dma_wait3A_264 = arith.constant 0 : i32
    %dma_wait3A_265 = arith.constant 0 : i32
    %dma_wait3A_266 = arith.constant 0 : i32
    %dma_wait3A_267 = arith.constant 0 : i32
    %dma_wait3A_268 = tpu.memref_slice %arg4[%dma_wait3A_264, %dma_wait3A_266, %dma_wait3A_267] : memref<3x32x1024xf32, #tpu.memory_space<vmem>> -> memref<1x32x1024xf32, #tpu.memory_space<vmem>>
    %dma_wait3A_269 = tpu.memref_squeeze %dma_wait3A_268 : memref<1x32x1024xf32, #tpu.memory_space<vmem>> -> memref<32x1024xf32, #tpu.memory_space<vmem>>
    %dma_wait3A_270 = arith.constant 0 : i32
    %dma_wait3A_271 = arith.constant 0 : i32
    %dma_wait3A_272 = tpu.memref_slice %arg3[%dma_wait3A_265, %dma_wait3A_270, %dma_wait3A_271] : memref<4x4096x1024xf32, #tpu.memory_space<hbm>> -> memref<1x4096x1024xf32, #tpu.memory_space<hbm>>
    %dma_wait3A_273 = tpu.memref_squeeze %dma_wait3A_272 : memref<1x4096x1024xf32, #tpu.memory_space<hbm>> -> memref<4096x1024xf32, #tpu.memory_space<hbm>>
    %dma_wait3A_274 = arith.constant 0 : i32
    %dma_wait3A_275 = tpu.memref_slice %dma_wait3A_273[%add3A_45, %dma_wait3A_274] : memref<4096x1024xf32, #tpu.memory_space<hbm>> -> memref<32x1024xf32, #tpu.memory_space<hbm>>
    %dma_wait3A_276 = arith.constant 0 : i32
    %dma_wait3A_277 = arith.constant 0 : i32
    %dma_wait3A_278 = tpu.memref_slice %arg3[%dma_wait3A_265, %dma_wait3A_276, %dma_wait3A_277] : memref<4x4096x1024xf32, #tpu.memory_space<hbm>> -> memref<1x4096x1024xf32, #tpu.memory_space<hbm>>
    %dma_wait3A_279 = tpu.memref_squeeze %dma_wait3A_278 : memref<1x4096x1024xf32, #tpu.memory_space<hbm>> -> memref<4096x1024xf32, #tpu.memory_space<hbm>>
    %dma_wait3A_280 = arith.constant 0 : i32
    %dma_wait3A_281 = tpu.memref_slice %dma_wait3A_279[%add3A_45, %dma_wait3A_280] : memref<4096x1024xf32, #tpu.memory_space<hbm>> -> memref<32x1024xf32, #tpu.memory_space<hbm>>
    %dma_wait3A_282 = arith.constant 0 : i32
    %dma_wait3A_283 = arith.constant 0 : i32
    %dma_wait3A_284 = tpu.memref_slice %arg4[%dma_wait3A_264, %dma_wait3A_282, %dma_wait3A_283] : memref<3x32x1024xf32, #tpu.memory_space<vmem>> -> memref<1x32x1024xf32, #tpu.memory_space<vmem>>
    %dma_wait3A_285 = tpu.memref_squeeze %dma_wait3A_284 : memref<1x32x1024xf32, #tpu.memory_space<vmem>> -> memref<32x1024xf32, #tpu.memory_space<vmem>>
    tpu.wait_dma2 semaphore(%arg6 : memref<!tpu.dma_semaphore, #tpu.memory_space<semaphore_mem>>) src(%dma_wait3A_285 : memref<32x1024xf32, #tpu.memory_space<vmem>>) dst(%dma_wait3A_281 : memref<32x1024xf32, #tpu.memory_space<hbm>>)
    %dma_wait3A_286 = arith.constant 0 : i32
    %dma_wait3A_287 = arith.constant 1 : i32
    %dma_wait3A_288 = arith.constant 0 : i32
    %dma_wait3A_289 = arith.constant 0 : i32
    %dma_wait3A_290 = tpu.memref_slice %arg4[%dma_wait3A_286, %dma_wait3A_288, %dma_wait3A_289] : memref<3x32x1024xf32, #tpu.memory_space<vmem>> -> memref<1x32x1024xf32, #tpu.memory_space<vmem>>
    %dma_wait3A_291 = tpu.memref_squeeze %dma_wait3A_290 : memref<1x32x1024xf32, #tpu.memory_space<vmem>> -> memref<32x1024xf32, #tpu.memory_space<vmem>>
    %dma_wait3A_292 = arith.constant 0 : i32
    %dma_wait3A_293 = arith.constant 0 : i32
    %dma_wait3A_294 = tpu.memref_slice %arg3[%dma_wait3A_287, %dma_wait3A_292, %dma_wait3A_293] : memref<4x4096x1024xf32, #tpu.memory_space<hbm>> -> memref<1x4096x1024xf32, #tpu.memory_space<hbm>>
    %dma_wait3A_295 = tpu.memref_squeeze %dma_wait3A_294 : memref<1x4096x1024xf32, #tpu.memory_space<hbm>> -> memref<4096x1024xf32, #tpu.memory_space<hbm>>
    %dma_wait3A_296 = arith.constant 0 : i32
    %dma_wait3A_297 = tpu.memref_slice %dma_wait3A_295[%add3A_47, %dma_wait3A_296] : memref<4096x1024xf32, #tpu.memory_space<hbm>> -> memref<32x1024xf32, #tpu.memory_space<hbm>>
    %dma_wait3A_298 = arith.constant 0 : i32
    %dma_wait3A_299 = arith.constant 0 : i32
    %dma_wait3A_300 = tpu.memref_slice %arg3[%dma_wait3A_287, %dma_wait3A_298, %dma_wait3A_299] : memref<4x4096x1024xf32, #tpu.memory_space<hbm>> -> memref<1x4096x1024xf32, #tpu.memory_space<hbm>>
    %dma_wait3A_301 = tpu.memref_squeeze %dma_wait3A_300 : memref<1x4096x1024xf32, #tpu.memory_space<hbm>> -> memref<4096x1024xf32, #tpu.memory_space<hbm>>
    %dma_wait3A_302 = arith.constant 0 : i32
    %dma_wait3A_303 = tpu.memref_slice %dma_wait3A_301[%add3A_47, %dma_wait3A_302] : memref<4096x1024xf32, #tpu.memory_space<hbm>> -> memref<32x1024xf32, #tpu.memory_space<hbm>>
    %dma_wait3A_304 = arith.constant 0 : i32
    %dma_wait3A_305 = arith.constant 0 : i32
    %dma_wait3A_306 = tpu.memref_slice %arg4[%dma_wait3A_286, %dma_wait3A_304, %dma_wait3A_305] : memref<3x32x1024xf32, #tpu.memory_space<vmem>> -> memref<1x32x1024xf32, #tpu.memory_space<vmem>>
    %dma_wait3A_307 = tpu.memref_squeeze %dma_wait3A_306 : memref<1x32x1024xf32, #tpu.memory_space<vmem>> -> memref<32x1024xf32, #tpu.memory_space<vmem>>
    tpu.wait_dma2 semaphore(%arg6 : memref<!tpu.dma_semaphore, #tpu.memory_space<semaphore_mem>>) src(%dma_wait3A_307 : memref<32x1024xf32, #tpu.memory_space<vmem>>) dst(%dma_wait3A_303 : memref<32x1024xf32, #tpu.memory_space<hbm>>)
    %dma_wait3A_308 = arith.constant 0 : i32
    %dma_wait3A_309 = arith.constant 2 : i32
    %dma_wait3A_310 = arith.constant 0 : i32
    %dma_wait3A_311 = arith.constant 0 : i32
    %dma_wait3A_312 = tpu.memref_slice %arg4[%dma_wait3A_308, %dma_wait3A_310, %dma_wait3A_311] : memref<3x32x1024xf32, #tpu.memory_space<vmem>> -> memref<1x32x1024xf32, #tpu.memory_space<vmem>>
    %dma_wait3A_313 = tpu.memref_squeeze %dma_wait3A_312 : memref<1x32x1024xf32, #tpu.memory_space<vmem>> -> memref<32x1024xf32, #tpu.memory_space<vmem>>
    %dma_wait3A_314 = arith.constant 0 : i32
    %dma_wait3A_315 = arith.constant 0 : i32
    %dma_wait3A_316 = tpu.memref_slice %arg3[%dma_wait3A_309, %dma_wait3A_314, %dma_wait3A_315] : memref<4x4096x1024xf32, #tpu.memory_space<hbm>> -> memref<1x4096x1024xf32, #tpu.memory_space<hbm>>
    %dma_wait3A_317 = tpu.memref_squeeze %dma_wait3A_316 : memref<1x4096x1024xf32, #tpu.memory_space<hbm>> -> memref<4096x1024xf32, #tpu.memory_space<hbm>>
    %dma_wait3A_318 = arith.constant 0 : i32
    %dma_wait3A_319 = tpu.memref_slice %dma_wait3A_317[%add3A_49, %dma_wait3A_318] : memref<4096x1024xf32, #tpu.memory_space<hbm>> -> memref<32x1024xf32, #tpu.memory_space<hbm>>
    %dma_wait3A_320 = arith.constant 0 : i32
    %dma_wait3A_321 = arith.constant 0 : i32
    %dma_wait3A_322 = tpu.memref_slice %arg3[%dma_wait3A_309, %dma_wait3A_320, %dma_wait3A_321] : memref<4x4096x1024xf32, #tpu.memory_space<hbm>> -> memref<1x4096x1024xf32, #tpu.memory_space<hbm>>
    %dma_wait3A_323 = tpu.memref_squeeze %dma_wait3A_322 : memref<1x4096x1024xf32, #tpu.memory_space<hbm>> -> memref<4096x1024xf32, #tpu.memory_space<hbm>>
    %dma_wait3A_324 = arith.constant 0 : i32
    %dma_wait3A_325 = tpu.memref_slice %dma_wait3A_323[%add3A_49, %dma_wait3A_324] : memref<4096x1024xf32, #tpu.memory_space<hbm>> -> memref<32x1024xf32, #tpu.memory_space<hbm>>
    %dma_wait3A_326 = arith.constant 0 : i32
    %dma_wait3A_327 = arith.constant 0 : i32
    %dma_wait3A_328 = tpu.memref_slice %arg4[%dma_wait3A_308, %dma_wait3A_326, %dma_wait3A_327] : memref<3x32x1024xf32, #tpu.memory_space<vmem>> -> memref<1x32x1024xf32, #tpu.memory_space<vmem>>
    %dma_wait3A_329 = tpu.memref_squeeze %dma_wait3A_328 : memref<1x32x1024xf32, #tpu.memory_space<vmem>> -> memref<32x1024xf32, #tpu.memory_space<vmem>>
    tpu.wait_dma2 semaphore(%arg6 : memref<!tpu.dma_semaphore, #tpu.memory_space<semaphore_mem>>) src(%dma_wait3A_329 : memref<32x1024xf32, #tpu.memory_space<vmem>>) dst(%dma_wait3A_325 : memref<32x1024xf32, #tpu.memory_space<hbm>>)
    %dma_wait3A_330 = arith.constant 0 : i32
    %dma_wait3A_331 = arith.constant 3 : i32
    %dma_wait3A_332 = arith.constant 0 : i32
    %dma_wait3A_333 = arith.constant 0 : i32
    %dma_wait3A_334 = tpu.memref_slice %arg4[%dma_wait3A_330, %dma_wait3A_332, %dma_wait3A_333] : memref<3x32x1024xf32, #tpu.memory_space<vmem>> -> memref<1x32x1024xf32, #tpu.memory_space<vmem>>
    %dma_wait3A_335 = tpu.memref_squeeze %dma_wait3A_334 : memref<1x32x1024xf32, #tpu.memory_space<vmem>> -> memref<32x1024xf32, #tpu.memory_space<vmem>>
    %dma_wait3A_336 = arith.constant 0 : i32
    %dma_wait3A_337 = arith.constant 0 : i32
    %dma_wait3A_338 = tpu.memref_slice %arg3[%dma_wait3A_331, %dma_wait3A_336, %dma_wait3A_337] : memref<4x4096x1024xf32, #tpu.memory_space<hbm>> -> memref<1x4096x1024xf32, #tpu.memory_space<hbm>>
    %dma_wait3A_339 = tpu.memref_squeeze %dma_wait3A_338 : memref<1x4096x1024xf32, #tpu.memory_space<hbm>> -> memref<4096x1024xf32, #tpu.memory_space<hbm>>
    %dma_wait3A_340 = arith.constant 0 : i32
    %dma_wait3A_341 = tpu.memref_slice %dma_wait3A_339[%add3A_51, %dma_wait3A_340] : memref<4096x1024xf32, #tpu.memory_space<hbm>> -> memref<32x1024xf32, #tpu.memory_space<hbm>>
    %dma_wait3A_342 = arith.constant 0 : i32
    %dma_wait3A_343 = arith.constant 0 : i32
    %dma_wait3A_344 = tpu.memref_slice %arg3[%dma_wait3A_331, %dma_wait3A_342, %dma_wait3A_343] : memref<4x4096x1024xf32, #tpu.memory_space<hbm>> -> memref<1x4096x1024xf32, #tpu.memory_space<hbm>>
    %dma_wait3A_345 = tpu.memref_squeeze %dma_wait3A_344 : memref<1x4096x1024xf32, #tpu.memory_space<hbm>> -> memref<4096x1024xf32, #tpu.memory_space<hbm>>
    %dma_wait3A_346 = arith.constant 0 : i32
    %dma_wait3A_347 = tpu.memref_slice %dma_wait3A_345[%add3A_51, %dma_wait3A_346] : memref<4096x1024xf32, #tpu.memory_space<hbm>> -> memref<32x1024xf32, #tpu.memory_space<hbm>>
    %dma_wait3A_348 = arith.constant 0 : i32
    %dma_wait3A_349 = arith.constant 0 : i32
    %dma_wait3A_350 = tpu.memref_slice %arg4[%dma_wait3A_330, %dma_wait3A_348, %dma_wait3A_349] : memref<3x32x1024xf32, #tpu.memory_space<vmem>> -> memref<1x32x1024xf32, #tpu.memory_space<vmem>>
    %dma_wait3A_351 = tpu.memref_squeeze %dma_wait3A_350 : memref<1x32x1024xf32, #tpu.memory_space<vmem>> -> memref<32x1024xf32, #tpu.memory_space<vmem>>
    tpu.wait_dma2 semaphore(%arg6 : memref<!tpu.dma_semaphore, #tpu.memory_space<semaphore_mem>>) src(%dma_wait3A_351 : memref<32x1024xf32, #tpu.memory_space<vmem>>) dst(%dma_wait3A_347 : memref<32x1024xf32, #tpu.memory_space<hbm>>)
    %add3A_352 = arith.constant 96 : i32
    %add3A_353 = arith.addi %mul3A_2, %add3A_352 : i32
    %dma_start3A_354 = arith.constant 0 : i32
    %dma_start3A_355 = arith.constant 0 : i32
    %dma_start3A_356 = arith.constant 0 : i32
    %dma_start3A_357 = tpu.memref_slice %arg4[%dma_start3A_354, %dma_start3A_355, %dma_start3A_356] : memref<3x32x1024xf32, #tpu.memory_space<vmem>> -> memref<1x32x1024xf32, #tpu.memory_space<vmem>>
    %dma_start3A_358 = tpu.memref_squeeze %dma_start3A_357 : memref<1x32x1024xf32, #tpu.memory_space<vmem>> -> memref<32x1024xf32, #tpu.memory_space<vmem>>
    %dma_start3A_359 = arith.constant 0 : i32
    %dma_start3A_360 = tpu.memref_slice %arg2[%add3A_353, %dma_start3A_359] : memref<4097x1024xf32, #tpu.memory_space<hbm>> -> memref<32x1024xf32, #tpu.memory_space<hbm>>
    %dma_start3A_361 = arith.constant 0 : i32
    %dma_start3A_362 = arith.constant 0 : i32
    %dma_start3A_363 = tpu.memref_slice %arg4[%dma_start3A_354, %dma_start3A_361, %dma_start3A_362] : memref<3x32x1024xf32, #tpu.memory_space<vmem>> -> memref<1x32x1024xf32, #tpu.memory_space<vmem>>
    %dma_start3A_364 = tpu.memref_squeeze %dma_start3A_363 : memref<1x32x1024xf32, #tpu.memory_space<vmem>> -> memref<32x1024xf32, #tpu.memory_space<vmem>>
    %dma_start3A_365 = arith.constant 0 : i32
    %dma_start3A_366 = tpu.memref_slice %arg2[%add3A_353, %dma_start3A_365] : memref<4097x1024xf32, #tpu.memory_space<hbm>> -> memref<32x1024xf32, #tpu.memory_space<hbm>>
    tpu.enqueue_dma source(%dma_start3A_366 : memref<32x1024xf32, #tpu.memory_space<hbm>>) target(%dma_start3A_364 : memref<32x1024xf32, #tpu.memory_space<vmem>>) target_semaphore(%arg5 : memref<!tpu.dma_semaphore, #tpu.memory_space<semaphore_mem>>)
    %dma_wait3A_367 = arith.constant 2 : i32
    %dma_wait3A_368 = arith.constant 0 : i32
    %dma_wait3A_369 = arith.constant 0 : i32
    %dma_wait3A_370 = tpu.memref_slice %arg4[%dma_wait3A_367, %dma_wait3A_368, %dma_wait3A_369] : memref<3x32x1024xf32, #tpu.memory_space<vmem>> -> memref<1x32x1024xf32, #tpu.memory_space<vmem>>
    %dma_wait3A_371 = tpu.memref_squeeze %dma_wait3A_370 : memref<1x32x1024xf32, #tpu.memory_space<vmem>> -> memref<32x1024xf32, #tpu.memory_space<vmem>>
    %dma_wait3A_372 = arith.constant 0 : i32
    %dma_wait3A_373 = tpu.memref_slice %arg2[%add3A_141, %dma_wait3A_372] : memref<4097x1024xf32, #tpu.memory_space<hbm>> -> memref<32x1024xf32, #tpu.memory_space<hbm>>
    %dma_wait3A_374 = arith.constant 0 : i32
    %dma_wait3A_375 = arith.constant 0 : i32
    %dma_wait3A_376 = tpu.memref_slice %arg4[%dma_wait3A_367, %dma_wait3A_374, %dma_wait3A_375] : memref<3x32x1024xf32, #tpu.memory_space<vmem>> -> memref<1x32x1024xf32, #tpu.memory_space<vmem>>
    %dma_wait3A_377 = tpu.memref_squeeze %dma_wait3A_376 : memref<1x32x1024xf32, #tpu.memory_space<vmem>> -> memref<32x1024xf32, #tpu.memory_space<vmem>>
    %dma_wait3A_378 = arith.constant 0 : i32
    %dma_wait3A_379 = tpu.memref_slice %arg2[%add3A_141, %dma_wait3A_378] : memref<4097x1024xf32, #tpu.memory_space<hbm>> -> memref<32x1024xf32, #tpu.memory_space<hbm>>
    tpu.wait_dma2 semaphore(%arg5 : memref<!tpu.dma_semaphore, #tpu.memory_space<semaphore_mem>>) src(%dma_wait3A_379 : memref<32x1024xf32, #tpu.memory_space<hbm>>) dst(%dma_wait3A_377 : memref<32x1024xf32, #tpu.memory_space<vmem>>)
    %add3A_380 = arith.constant 64 : i32
    %add3A_381 = arith.addi %mul3A_2, %add3A_380 : i32
    %add3A_382 = arith.constant 64 : i32
    %add3A_383 = arith.addi %mul3A_2, %add3A_382 : i32
    %add3A_384 = arith.constant 64 : i32
    %add3A_385 = arith.addi %mul3A_2, %add3A_384 : i32
    %add3A_386 = arith.constant 64 : i32
    %add3A_387 = arith.addi %mul3A_2, %add3A_386 : i32
    %dma_start3A_388 = arith.constant 2 : i32
    %dma_start3A_389 = arith.constant 0 : i32
    %dma_start3A_390 = arith.constant 0 : i32
    %dma_start3A_391 = arith.constant 0 : i32
    %dma_start3A_392 = tpu.memref_slice %arg4[%dma_start3A_388, %dma_start3A_390, %dma_start3A_391] : memref<3x32x1024xf32, #tpu.memory_space<vmem>> -> memref<1x32x1024xf32, #tpu.memory_space<vmem>>
    %dma_start3A_393 = tpu.memref_squeeze %dma_start3A_392 : memref<1x32x1024xf32, #tpu.memory_space<vmem>> -> memref<32x1024xf32, #tpu.memory_space<vmem>>
    %dma_start3A_394 = arith.constant 0 : i32
    %dma_start3A_395 = arith.constant 0 : i32
    %dma_start3A_396 = tpu.memref_slice %arg3[%dma_start3A_389, %dma_start3A_394, %dma_start3A_395] : memref<4x4096x1024xf32, #tpu.memory_space<hbm>> -> memref<1x4096x1024xf32, #tpu.memory_space<hbm>>
    %dma_start3A_397 = tpu.memref_squeeze %dma_start3A_396 : memref<1x4096x1024xf32, #tpu.memory_space<hbm>> -> memref<4096x1024xf32, #tpu.memory_space<hbm>>
    %dma_start3A_398 = arith.constant 0 : i32
    %dma_start3A_399 = tpu.memref_slice %dma_start3A_397[%add3A_381, %dma_start3A_398] : memref<4096x1024xf32, #tpu.memory_space<hbm>> -> memref<32x1024xf32, #tpu.memory_space<hbm>>
    %dma_start3A_400 = arith.constant 0 : i32
    %dma_start3A_401 = arith.constant 0 : i32
    %dma_start3A_402 = tpu.memref_slice %arg3[%dma_start3A_389, %dma_start3A_400, %dma_start3A_401] : memref<4x4096x1024xf32, #tpu.memory_space<hbm>> -> memref<1x4096x1024xf32, #tpu.memory_space<hbm>>
    %dma_start3A_403 = tpu.memref_squeeze %dma_start3A_402 : memref<1x4096x1024xf32, #tpu.memory_space<hbm>> -> memref<4096x1024xf32, #tpu.memory_space<hbm>>
    %dma_start3A_404 = arith.constant 0 : i32
    %dma_start3A_405 = tpu.memref_slice %dma_start3A_403[%add3A_381, %dma_start3A_404] : memref<4096x1024xf32, #tpu.memory_space<hbm>> -> memref<32x1024xf32, #tpu.memory_space<hbm>>
    %dma_start3A_406 = arith.constant 0 : i32
    %dma_start3A_407 = arith.constant 0 : i32
    %dma_start3A_408 = tpu.memref_slice %arg4[%dma_start3A_388, %dma_start3A_406, %dma_start3A_407] : memref<3x32x1024xf32, #tpu.memory_space<vmem>> -> memref<1x32x1024xf32, #tpu.memory_space<vmem>>
    %dma_start3A_409 = tpu.memref_squeeze %dma_start3A_408 : memref<1x32x1024xf32, #tpu.memory_space<vmem>> -> memref<32x1024xf32, #tpu.memory_space<vmem>>
    tpu.enqueue_dma source(%dma_start3A_409 : memref<32x1024xf32, #tpu.memory_space<vmem>>) target(%dma_start3A_405 : memref<32x1024xf32, #tpu.memory_space<hbm>>) target_semaphore(%arg8 : memref<!tpu.dma_semaphore, #tpu.memory_space<semaphore_mem>>)
    %dma_start3A_410 = arith.constant 2 : i32
    %dma_start3A_411 = arith.constant 1 : i32
    %dma_start3A_412 = arith.constant 0 : i32
    %dma_start3A_413 = arith.constant 0 : i32
    %dma_start3A_414 = tpu.memref_slice %arg4[%dma_start3A_410, %dma_start3A_412, %dma_start3A_413] : memref<3x32x1024xf32, #tpu.memory_space<vmem>> -> memref<1x32x1024xf32, #tpu.memory_space<vmem>>
    %dma_start3A_415 = tpu.memref_squeeze %dma_start3A_414 : memref<1x32x1024xf32, #tpu.memory_space<vmem>> -> memref<32x1024xf32, #tpu.memory_space<vmem>>
    %dma_start3A_416 = arith.constant 0 : i32
    %dma_start3A_417 = arith.constant 0 : i32
    %dma_start3A_418 = tpu.memref_slice %arg3[%dma_start3A_411, %dma_start3A_416, %dma_start3A_417] : memref<4x4096x1024xf32, #tpu.memory_space<hbm>> -> memref<1x4096x1024xf32, #tpu.memory_space<hbm>>
    %dma_start3A_419 = tpu.memref_squeeze %dma_start3A_418 : memref<1x4096x1024xf32, #tpu.memory_space<hbm>> -> memref<4096x1024xf32, #tpu.memory_space<hbm>>
    %dma_start3A_420 = arith.constant 0 : i32
    %dma_start3A_421 = tpu.memref_slice %dma_start3A_419[%add3A_383, %dma_start3A_420] : memref<4096x1024xf32, #tpu.memory_space<hbm>> -> memref<32x1024xf32, #tpu.memory_space<hbm>>
    %dma_start3A_422 = arith.constant 0 : i32
    %dma_start3A_423 = arith.constant 0 : i32
    %dma_start3A_424 = tpu.memref_slice %arg3[%dma_start3A_411, %dma_start3A_422, %dma_start3A_423] : memref<4x4096x1024xf32, #tpu.memory_space<hbm>> -> memref<1x4096x1024xf32, #tpu.memory_space<hbm>>
    %dma_start3A_425 = tpu.memref_squeeze %dma_start3A_424 : memref<1x4096x1024xf32, #tpu.memory_space<hbm>> -> memref<4096x1024xf32, #tpu.memory_space<hbm>>
    %dma_start3A_426 = arith.constant 0 : i32
    %dma_start3A_427 = tpu.memref_slice %dma_start3A_425[%add3A_383, %dma_start3A_426] : memref<4096x1024xf32, #tpu.memory_space<hbm>> -> memref<32x1024xf32, #tpu.memory_space<hbm>>
    %dma_start3A_428 = arith.constant 0 : i32
    %dma_start3A_429 = arith.constant 0 : i32
    %dma_start3A_430 = tpu.memref_slice %arg4[%dma_start3A_410, %dma_start3A_428, %dma_start3A_429] : memref<3x32x1024xf32, #tpu.memory_space<vmem>> -> memref<1x32x1024xf32, #tpu.memory_space<vmem>>
    %dma_start3A_431 = tpu.memref_squeeze %dma_start3A_430 : memref<1x32x1024xf32, #tpu.memory_space<vmem>> -> memref<32x1024xf32, #tpu.memory_space<vmem>>
    tpu.enqueue_dma source(%dma_start3A_431 : memref<32x1024xf32, #tpu.memory_space<vmem>>) target(%dma_start3A_427 : memref<32x1024xf32, #tpu.memory_space<hbm>>) target_semaphore(%arg8 : memref<!tpu.dma_semaphore, #tpu.memory_space<semaphore_mem>>)
    %dma_start3A_432 = arith.constant 2 : i32
    %dma_start3A_433 = arith.constant 2 : i32
    %dma_start3A_434 = arith.constant 0 : i32
    %dma_start3A_435 = arith.constant 0 : i32
    %dma_start3A_436 = tpu.memref_slice %arg4[%dma_start3A_432, %dma_start3A_434, %dma_start3A_435] : memref<3x32x1024xf32, #tpu.memory_space<vmem>> -> memref<1x32x1024xf32, #tpu.memory_space<vmem>>
    %dma_start3A_437 = tpu.memref_squeeze %dma_start3A_436 : memref<1x32x1024xf32, #tpu.memory_space<vmem>> -> memref<32x1024xf32, #tpu.memory_space<vmem>>
    %dma_start3A_438 = arith.constant 0 : i32
    %dma_start3A_439 = arith.constant 0 : i32
    %dma_start3A_440 = tpu.memref_slice %arg3[%dma_start3A_433, %dma_start3A_438, %dma_start3A_439] : memref<4x4096x1024xf32, #tpu.memory_space<hbm>> -> memref<1x4096x1024xf32, #tpu.memory_space<hbm>>
    %dma_start3A_441 = tpu.memref_squeeze %dma_start3A_440 : memref<1x4096x1024xf32, #tpu.memory_space<hbm>> -> memref<4096x1024xf32, #tpu.memory_space<hbm>>
    %dma_start3A_442 = arith.constant 0 : i32
    %dma_start3A_443 = tpu.memref_slice %dma_start3A_441[%add3A_385, %dma_start3A_442] : memref<4096x1024xf32, #tpu.memory_space<hbm>> -> memref<32x1024xf32, #tpu.memory_space<hbm>>
    %dma_start3A_444 = arith.constant 0 : i32
    %dma_start3A_445 = arith.constant 0 : i32
    %dma_start3A_446 = tpu.memref_slice %arg3[%dma_start3A_433, %dma_start3A_444, %dma_start3A_445] : memref<4x4096x1024xf32, #tpu.memory_space<hbm>> -> memref<1x4096x1024xf32, #tpu.memory_space<hbm>>
    %dma_start3A_447 = tpu.memref_squeeze %dma_start3A_446 : memref<1x4096x1024xf32, #tpu.memory_space<hbm>> -> memref<4096x1024xf32, #tpu.memory_space<hbm>>
    %dma_start3A_448 = arith.constant 0 : i32
    %dma_start3A_449 = tpu.memref_slice %dma_start3A_447[%add3A_385, %dma_start3A_448] : memref<4096x1024xf32, #tpu.memory_space<hbm>> -> memref<32x1024xf32, #tpu.memory_space<hbm>>
    %dma_start3A_450 = arith.constant 0 : i32
    %dma_start3A_451 = arith.constant 0 : i32
    %dma_start3A_452 = tpu.memref_slice %arg4[%dma_start3A_432, %dma_start3A_450, %dma_start3A_451] : memref<3x32x1024xf32, #tpu.memory_space<vmem>> -> memref<1x32x1024xf32, #tpu.memory_space<vmem>>
    %dma_start3A_453 = tpu.memref_squeeze %dma_start3A_452 : memref<1x32x1024xf32, #tpu.memory_space<vmem>> -> memref<32x1024xf32, #tpu.memory_space<vmem>>
    tpu.enqueue_dma source(%dma_start3A_453 : memref<32x1024xf32, #tpu.memory_space<vmem>>) target(%dma_start3A_449 : memref<32x1024xf32, #tpu.memory_space<hbm>>) target_semaphore(%arg8 : memref<!tpu.dma_semaphore, #tpu.memory_space<semaphore_mem>>)
    %dma_start3A_454 = arith.constant 2 : i32
    %dma_start3A_455 = arith.constant 3 : i32
    %dma_start3A_456 = arith.constant 0 : i32
    %dma_start3A_457 = arith.constant 0 : i32
    %dma_start3A_458 = tpu.memref_slice %arg4[%dma_start3A_454, %dma_start3A_456, %dma_start3A_457] : memref<3x32x1024xf32, #tpu.memory_space<vmem>> -> memref<1x32x1024xf32, #tpu.memory_space<vmem>>
    %dma_start3A_459 = tpu.memref_squeeze %dma_start3A_458 : memref<1x32x1024xf32, #tpu.memory_space<vmem>> -> memref<32x1024xf32, #tpu.memory_space<vmem>>
    %dma_start3A_460 = arith.constant 0 : i32
    %dma_start3A_461 = arith.constant 0 : i32
    %dma_start3A_462 = tpu.memref_slice %arg3[%dma_start3A_455, %dma_start3A_460, %dma_start3A_461] : memref<4x4096x1024xf32, #tpu.memory_space<hbm>> -> memref<1x4096x1024xf32, #tpu.memory_space<hbm>>
    %dma_start3A_463 = tpu.memref_squeeze %dma_start3A_462 : memref<1x4096x1024xf32, #tpu.memory_space<hbm>> -> memref<4096x1024xf32, #tpu.memory_space<hbm>>
    %dma_start3A_464 = arith.constant 0 : i32
    %dma_start3A_465 = tpu.memref_slice %dma_start3A_463[%add3A_387, %dma_start3A_464] : memref<4096x1024xf32, #tpu.memory_space<hbm>> -> memref<32x1024xf32, #tpu.memory_space<hbm>>
    %dma_start3A_466 = arith.constant 0 : i32
    %dma_start3A_467 = arith.constant 0 : i32
    %dma_start3A_468 = tpu.memref_slice %arg3[%dma_start3A_455, %dma_start3A_466, %dma_start3A_467] : memref<4x4096x1024xf32, #tpu.memory_space<hbm>> -> memref<1x4096x1024xf32, #tpu.memory_space<hbm>>
    %dma_start3A_469 = tpu.memref_squeeze %dma_start3A_468 : memref<1x4096x1024xf32, #tpu.memory_space<hbm>> -> memref<4096x1024xf32, #tpu.memory_space<hbm>>
    %dma_start3A_470 = arith.constant 0 : i32
    %dma_start3A_471 = tpu.memref_slice %dma_start3A_469[%add3A_387, %dma_start3A_470] : memref<4096x1024xf32, #tpu.memory_space<hbm>> -> memref<32x1024xf32, #tpu.memory_space<hbm>>
    %dma_start3A_472 = arith.constant 0 : i32
    %dma_start3A_473 = arith.constant 0 : i32
    %dma_start3A_474 = tpu.memref_slice %arg4[%dma_start3A_454, %dma_start3A_472, %dma_start3A_473] : memref<3x32x1024xf32, #tpu.memory_space<vmem>> -> memref<1x32x1024xf32, #tpu.memory_space<vmem>>
    %dma_start3A_475 = tpu.memref_squeeze %dma_start3A_474 : memref<1x32x1024xf32, #tpu.memory_space<vmem>> -> memref<32x1024xf32, #tpu.memory_space<vmem>>
    tpu.enqueue_dma source(%dma_start3A_475 : memref<32x1024xf32, #tpu.memory_space<vmem>>) target(%dma_start3A_471 : memref<32x1024xf32, #tpu.memory_space<hbm>>) target_semaphore(%arg8 : memref<!tpu.dma_semaphore, #tpu.memory_space<semaphore_mem>>)
    %dma_wait3A_476 = arith.constant 0 : i32
    %dma_wait3A_477 = arith.constant 0 : i32
    %dma_wait3A_478 = arith.constant 0 : i32
    %dma_wait3A_479 = tpu.memref_slice %arg4[%dma_wait3A_476, %dma_wait3A_477, %dma_wait3A_478] : memref<3x32x1024xf32, #tpu.memory_space<vmem>> -> memref<1x32x1024xf32, #tpu.memory_space<vmem>>
    %dma_wait3A_480 = tpu.memref_squeeze %dma_wait3A_479 : memref<1x32x1024xf32, #tpu.memory_space<vmem>> -> memref<32x1024xf32, #tpu.memory_space<vmem>>
    %dma_wait3A_481 = arith.constant 0 : i32
    %dma_wait3A_482 = tpu.memref_slice %arg2[%add3A_353, %dma_wait3A_481] : memref<4097x1024xf32, #tpu.memory_space<hbm>> -> memref<32x1024xf32, #tpu.memory_space<hbm>>
    %dma_wait3A_483 = arith.constant 0 : i32
    %dma_wait3A_484 = arith.constant 0 : i32
    %dma_wait3A_485 = tpu.memref_slice %arg4[%dma_wait3A_476, %dma_wait3A_483, %dma_wait3A_484] : memref<3x32x1024xf32, #tpu.memory_space<vmem>> -> memref<1x32x1024xf32, #tpu.memory_space<vmem>>
    %dma_wait3A_486 = tpu.memref_squeeze %dma_wait3A_485 : memref<1x32x1024xf32, #tpu.memory_space<vmem>> -> memref<32x1024xf32, #tpu.memory_space<vmem>>
    %dma_wait3A_487 = arith.constant 0 : i32
    %dma_wait3A_488 = tpu.memref_slice %arg2[%add3A_353, %dma_wait3A_487] : memref<4097x1024xf32, #tpu.memory_space<hbm>> -> memref<32x1024xf32, #tpu.memory_space<hbm>>
    tpu.wait_dma2 semaphore(%arg5 : memref<!tpu.dma_semaphore, #tpu.memory_space<semaphore_mem>>) src(%dma_wait3A_488 : memref<32x1024xf32, #tpu.memory_space<hbm>>) dst(%dma_wait3A_486 : memref<32x1024xf32, #tpu.memory_space<vmem>>)
    %add3A_489 = arith.constant 96 : i32
    %add3A_490 = arith.addi %mul3A_2, %add3A_489 : i32
    %add3A_491 = arith.constant 96 : i32
    %add3A_492 = arith.addi %mul3A_2, %add3A_491 : i32
    %add3A_493 = arith.constant 96 : i32
    %add3A_494 = arith.addi %mul3A_2, %add3A_493 : i32
    %add3A_495 = arith.constant 96 : i32
    %add3A_496 = arith.addi %mul3A_2, %add3A_495 : i32
    %dma_start3A_497 = arith.constant 0 : i32
    %dma_start3A_498 = arith.constant 0 : i32
    %dma_start3A_499 = arith.constant 0 : i32
    %dma_start3A_500 = arith.constant 0 : i32
    %dma_start3A_501 = tpu.memref_slice %arg4[%dma_start3A_497, %dma_start3A_499, %dma_start3A_500] : memref<3x32x1024xf32, #tpu.memory_space<vmem>> -> memref<1x32x1024xf32, #tpu.memory_space<vmem>>
    %dma_start3A_502 = tpu.memref_squeeze %dma_start3A_501 : memref<1x32x1024xf32, #tpu.memory_space<vmem>> -> memref<32x1024xf32, #tpu.memory_space<vmem>>
    %dma_start3A_503 = arith.constant 0 : i32
    %dma_start3A_504 = arith.constant 0 : i32
    %dma_start3A_505 = tpu.memref_slice %arg3[%dma_start3A_498, %dma_start3A_503, %dma_start3A_504] : memref<4x4096x1024xf32, #tpu.memory_space<hbm>> -> memref<1x4096x1024xf32, #tpu.memory_space<hbm>>
    %dma_start3A_506 = tpu.memref_squeeze %dma_start3A_505 : memref<1x4096x1024xf32, #tpu.memory_space<hbm>> -> memref<4096x1024xf32, #tpu.memory_space<hbm>>
    %dma_start3A_507 = arith.constant 0 : i32
    %dma_start3A_508 = tpu.memref_slice %dma_start3A_506[%add3A_490, %dma_start3A_507] : memref<4096x1024xf32, #tpu.memory_space<hbm>> -> memref<32x1024xf32, #tpu.memory_space<hbm>>
    %dma_start3A_509 = arith.constant 0 : i32
    %dma_start3A_510 = arith.constant 0 : i32
    %dma_start3A_511 = tpu.memref_slice %arg3[%dma_start3A_498, %dma_start3A_509, %dma_start3A_510] : memref<4x4096x1024xf32, #tpu.memory_space<hbm>> -> memref<1x4096x1024xf32, #tpu.memory_space<hbm>>
    %dma_start3A_512 = tpu.memref_squeeze %dma_start3A_511 : memref<1x4096x1024xf32, #tpu.memory_space<hbm>> -> memref<4096x1024xf32, #tpu.memory_space<hbm>>
    %dma_start3A_513 = arith.constant 0 : i32
    %dma_start3A_514 = tpu.memref_slice %dma_start3A_512[%add3A_490, %dma_start3A_513] : memref<4096x1024xf32, #tpu.memory_space<hbm>> -> memref<32x1024xf32, #tpu.memory_space<hbm>>
    %dma_start3A_515 = arith.constant 0 : i32
    %dma_start3A_516 = arith.constant 0 : i32
    %dma_start3A_517 = tpu.memref_slice %arg4[%dma_start3A_497, %dma_start3A_515, %dma_start3A_516] : memref<3x32x1024xf32, #tpu.memory_space<vmem>> -> memref<1x32x1024xf32, #tpu.memory_space<vmem>>
    %dma_start3A_518 = tpu.memref_squeeze %dma_start3A_517 : memref<1x32x1024xf32, #tpu.memory_space<vmem>> -> memref<32x1024xf32, #tpu.memory_space<vmem>>
    tpu.enqueue_dma source(%dma_start3A_518 : memref<32x1024xf32, #tpu.memory_space<vmem>>) target(%dma_start3A_514 : memref<32x1024xf32, #tpu.memory_space<hbm>>) target_semaphore(%arg6 : memref<!tpu.dma_semaphore, #tpu.memory_space<semaphore_mem>>)
    %dma_start3A_519 = arith.constant 0 : i32
    %dma_start3A_520 = arith.constant 1 : i32
    %dma_start3A_521 = arith.constant 0 : i32
    %dma_start3A_522 = arith.constant 0 : i32
    %dma_start3A_523 = tpu.memref_slice %arg4[%dma_start3A_519, %dma_start3A_521, %dma_start3A_522] : memref<3x32x1024xf32, #tpu.memory_space<vmem>> -> memref<1x32x1024xf32, #tpu.memory_space<vmem>>
    %dma_start3A_524 = tpu.memref_squeeze %dma_start3A_523 : memref<1x32x1024xf32, #tpu.memory_space<vmem>> -> memref<32x1024xf32, #tpu.memory_space<vmem>>
    %dma_start3A_525 = arith.constant 0 : i32
    %dma_start3A_526 = arith.constant 0 : i32
    %dma_start3A_527 = tpu.memref_slice %arg3[%dma_start3A_520, %dma_start3A_525, %dma_start3A_526] : memref<4x4096x1024xf32, #tpu.memory_space<hbm>> -> memref<1x4096x1024xf32, #tpu.memory_space<hbm>>
    %dma_start3A_528 = tpu.memref_squeeze %dma_start3A_527 : memref<1x4096x1024xf32, #tpu.memory_space<hbm>> -> memref<4096x1024xf32, #tpu.memory_space<hbm>>
    %dma_start3A_529 = arith.constant 0 : i32
    %dma_start3A_530 = tpu.memref_slice %dma_start3A_528[%add3A_492, %dma_start3A_529] : memref<4096x1024xf32, #tpu.memory_space<hbm>> -> memref<32x1024xf32, #tpu.memory_space<hbm>>
    %dma_start3A_531 = arith.constant 0 : i32
    %dma_start3A_532 = arith.constant 0 : i32
    %dma_start3A_533 = tpu.memref_slice %arg3[%dma_start3A_520, %dma_start3A_531, %dma_start3A_532] : memref<4x4096x1024xf32, #tpu.memory_space<hbm>> -> memref<1x4096x1024xf32, #tpu.memory_space<hbm>>
    %dma_start3A_534 = tpu.memref_squeeze %dma_start3A_533 : memref<1x4096x1024xf32, #tpu.memory_space<hbm>> -> memref<4096x1024xf32, #tpu.memory_space<hbm>>
    %dma_start3A_535 = arith.constant 0 : i32
    %dma_start3A_536 = tpu.memref_slice %dma_start3A_534[%add3A_492, %dma_start3A_535] : memref<4096x1024xf32, #tpu.memory_space<hbm>> -> memref<32x1024xf32, #tpu.memory_space<hbm>>
    %dma_start3A_537 = arith.constant 0 : i32
    %dma_start3A_538 = arith.constant 0 : i32
    %dma_start3A_539 = tpu.memref_slice %arg4[%dma_start3A_519, %dma_start3A_537, %dma_start3A_538] : memref<3x32x1024xf32, #tpu.memory_space<vmem>> -> memref<1x32x1024xf32, #tpu.memory_space<vmem>>
    %dma_start3A_540 = tpu.memref_squeeze %dma_start3A_539 : memref<1x32x1024xf32, #tpu.memory_space<vmem>> -> memref<32x1024xf32, #tpu.memory_space<vmem>>
    tpu.enqueue_dma source(%dma_start3A_540 : memref<32x1024xf32, #tpu.memory_space<vmem>>) target(%dma_start3A_536 : memref<32x1024xf32, #tpu.memory_space<hbm>>) target_semaphore(%arg6 : memref<!tpu.dma_semaphore, #tpu.memory_space<semaphore_mem>>)
    %dma_start3A_541 = arith.constant 0 : i32
    %dma_start3A_542 = arith.constant 2 : i32
    %dma_start3A_543 = arith.constant 0 : i32
    %dma_start3A_544 = arith.constant 0 : i32
    %dma_start3A_545 = tpu.memref_slice %arg4[%dma_start3A_541, %dma_start3A_543, %dma_start3A_544] : memref<3x32x1024xf32, #tpu.memory_space<vmem>> -> memref<1x32x1024xf32, #tpu.memory_space<vmem>>
    %dma_start3A_546 = tpu.memref_squeeze %dma_start3A_545 : memref<1x32x1024xf32, #tpu.memory_space<vmem>> -> memref<32x1024xf32, #tpu.memory_space<vmem>>
    %dma_start3A_547 = arith.constant 0 : i32
    %dma_start3A_548 = arith.constant 0 : i32
    %dma_start3A_549 = tpu.memref_slice %arg3[%dma_start3A_542, %dma_start3A_547, %dma_start3A_548] : memref<4x4096x1024xf32, #tpu.memory_space<hbm>> -> memref<1x4096x1024xf32, #tpu.memory_space<hbm>>
    %dma_start3A_550 = tpu.memref_squeeze %dma_start3A_549 : memref<1x4096x1024xf32, #tpu.memory_space<hbm>> -> memref<4096x1024xf32, #tpu.memory_space<hbm>>
    %dma_start3A_551 = arith.constant 0 : i32
    %dma_start3A_552 = tpu.memref_slice %dma_start3A_550[%add3A_494, %dma_start3A_551] : memref<4096x1024xf32, #tpu.memory_space<hbm>> -> memref<32x1024xf32, #tpu.memory_space<hbm>>
    %dma_start3A_553 = arith.constant 0 : i32
    %dma_start3A_554 = arith.constant 0 : i32
    %dma_start3A_555 = tpu.memref_slice %arg3[%dma_start3A_542, %dma_start3A_553, %dma_start3A_554] : memref<4x4096x1024xf32, #tpu.memory_space<hbm>> -> memref<1x4096x1024xf32, #tpu.memory_space<hbm>>
    %dma_start3A_556 = tpu.memref_squeeze %dma_start3A_555 : memref<1x4096x1024xf32, #tpu.memory_space<hbm>> -> memref<4096x1024xf32, #tpu.memory_space<hbm>>
    %dma_start3A_557 = arith.constant 0 : i32
    %dma_start3A_558 = tpu.memref_slice %dma_start3A_556[%add3A_494, %dma_start3A_557] : memref<4096x1024xf32, #tpu.memory_space<hbm>> -> memref<32x1024xf32, #tpu.memory_space<hbm>>
    %dma_start3A_559 = arith.constant 0 : i32
    %dma_start3A_560 = arith.constant 0 : i32
    %dma_start3A_561 = tpu.memref_slice %arg4[%dma_start3A_541, %dma_start3A_559, %dma_start3A_560] : memref<3x32x1024xf32, #tpu.memory_space<vmem>> -> memref<1x32x1024xf32, #tpu.memory_space<vmem>>
    %dma_start3A_562 = tpu.memref_squeeze %dma_start3A_561 : memref<1x32x1024xf32, #tpu.memory_space<vmem>> -> memref<32x1024xf32, #tpu.memory_space<vmem>>
    tpu.enqueue_dma source(%dma_start3A_562 : memref<32x1024xf32, #tpu.memory_space<vmem>>) target(%dma_start3A_558 : memref<32x1024xf32, #tpu.memory_space<hbm>>) target_semaphore(%arg6 : memref<!tpu.dma_semaphore, #tpu.memory_space<semaphore_mem>>)
    %dma_start3A_563 = arith.constant 0 : i32
    %dma_start3A_564 = arith.constant 3 : i32
    %dma_start3A_565 = arith.constant 0 : i32
    %dma_start3A_566 = arith.constant 0 : i32
    %dma_start3A_567 = tpu.memref_slice %arg4[%dma_start3A_563, %dma_start3A_565, %dma_start3A_566] : memref<3x32x1024xf32, #tpu.memory_space<vmem>> -> memref<1x32x1024xf32, #tpu.memory_space<vmem>>
    %dma_start3A_568 = tpu.memref_squeeze %dma_start3A_567 : memref<1x32x1024xf32, #tpu.memory_space<vmem>> -> memref<32x1024xf32, #tpu.memory_space<vmem>>
    %dma_start3A_569 = arith.constant 0 : i32
    %dma_start3A_570 = arith.constant 0 : i32
    %dma_start3A_571 = tpu.memref_slice %arg3[%dma_start3A_564, %dma_start3A_569, %dma_start3A_570] : memref<4x4096x1024xf32, #tpu.memory_space<hbm>> -> memref<1x4096x1024xf32, #tpu.memory_space<hbm>>
    %dma_start3A_572 = tpu.memref_squeeze %dma_start3A_571 : memref<1x4096x1024xf32, #tpu.memory_space<hbm>> -> memref<4096x1024xf32, #tpu.memory_space<hbm>>
    %dma_start3A_573 = arith.constant 0 : i32
    %dma_start3A_574 = tpu.memref_slice %dma_start3A_572[%add3A_496, %dma_start3A_573] : memref<4096x1024xf32, #tpu.memory_space<hbm>> -> memref<32x1024xf32, #tpu.memory_space<hbm>>
    %dma_start3A_575 = arith.constant 0 : i32
    %dma_start3A_576 = arith.constant 0 : i32
    %dma_start3A_577 = tpu.memref_slice %arg3[%dma_start3A_564, %dma_start3A_575, %dma_start3A_576] : memref<4x4096x1024xf32, #tpu.memory_space<hbm>> -> memref<1x4096x1024xf32, #tpu.memory_space<hbm>>
    %dma_start3A_578 = tpu.memref_squeeze %dma_start3A_577 : memref<1x4096x1024xf32, #tpu.memory_space<hbm>> -> memref<4096x1024xf32, #tpu.memory_space<hbm>>
    %dma_start3A_579 = arith.constant 0 : i32
    %dma_start3A_580 = tpu.memref_slice %dma_start3A_578[%add3A_496, %dma_start3A_579] : memref<4096x1024xf32, #tpu.memory_space<hbm>> -> memref<32x1024xf32, #tpu.memory_space<hbm>>
    %dma_start3A_581 = arith.constant 0 : i32
    %dma_start3A_582 = arith.constant 0 : i32
    %dma_start3A_583 = tpu.memref_slice %arg4[%dma_start3A_563, %dma_start3A_581, %dma_start3A_582] : memref<3x32x1024xf32, #tpu.memory_space<vmem>> -> memref<1x32x1024xf32, #tpu.memory_space<vmem>>
    %dma_start3A_584 = tpu.memref_squeeze %dma_start3A_583 : memref<1x32x1024xf32, #tpu.memory_space<vmem>> -> memref<32x1024xf32, #tpu.memory_space<vmem>>
    tpu.enqueue_dma source(%dma_start3A_584 : memref<32x1024xf32, #tpu.memory_space<vmem>>) target(%dma_start3A_580 : memref<32x1024xf32, #tpu.memory_space<hbm>>) target_semaphore(%arg6 : memref<!tpu.dma_semaphore, #tpu.memory_space<semaphore_mem>>)
    %dma_wait3A_585 = arith.constant 1 : i32
    %dma_wait3A_586 = arith.constant 0 : i32
    %dma_wait3A_587 = arith.constant 0 : i32
    %dma_wait3A_588 = arith.constant 0 : i32
    %dma_wait3A_589 = tpu.memref_slice %arg4[%dma_wait3A_585, %dma_wait3A_587, %dma_wait3A_588] : memref<3x32x1024xf32, #tpu.memory_space<vmem>> -> memref<1x32x1024xf32, #tpu.memory_space<vmem>>
    %dma_wait3A_590 = tpu.memref_squeeze %dma_wait3A_589 : memref<1x32x1024xf32, #tpu.memory_space<vmem>> -> memref<32x1024xf32, #tpu.memory_space<vmem>>
    %dma_wait3A_591 = arith.constant 0 : i32
    %dma_wait3A_592 = arith.constant 0 : i32
    %dma_wait3A_593 = tpu.memref_slice %arg3[%dma_wait3A_586, %dma_wait3A_591, %dma_wait3A_592] : memref<4x4096x1024xf32, #tpu.memory_space<hbm>> -> memref<1x4096x1024xf32, #tpu.memory_space<hbm>>
    %dma_wait3A_594 = tpu.memref_squeeze %dma_wait3A_593 : memref<1x4096x1024xf32, #tpu.memory_space<hbm>> -> memref<4096x1024xf32, #tpu.memory_space<hbm>>
    %dma_wait3A_595 = arith.constant 0 : i32
    %dma_wait3A_596 = tpu.memref_slice %dma_wait3A_594[%add3A_169, %dma_wait3A_595] : memref<4096x1024xf32, #tpu.memory_space<hbm>> -> memref<32x1024xf32, #tpu.memory_space<hbm>>
    %dma_wait3A_597 = arith.constant 0 : i32
    %dma_wait3A_598 = arith.constant 0 : i32
    %dma_wait3A_599 = tpu.memref_slice %arg3[%dma_wait3A_586, %dma_wait3A_597, %dma_wait3A_598] : memref<4x4096x1024xf32, #tpu.memory_space<hbm>> -> memref<1x4096x1024xf32, #tpu.memory_space<hbm>>
    %dma_wait3A_600 = tpu.memref_squeeze %dma_wait3A_599 : memref<1x4096x1024xf32, #tpu.memory_space<hbm>> -> memref<4096x1024xf32, #tpu.memory_space<hbm>>
    %dma_wait3A_601 = arith.constant 0 : i32
    %dma_wait3A_602 = tpu.memref_slice %dma_wait3A_600[%add3A_169, %dma_wait3A_601] : memref<4096x1024xf32, #tpu.memory_space<hbm>> -> memref<32x1024xf32, #tpu.memory_space<hbm>>
    %dma_wait3A_603 = arith.constant 0 : i32
    %dma_wait3A_604 = arith.constant 0 : i32
    %dma_wait3A_605 = tpu.memref_slice %arg4[%dma_wait3A_585, %dma_wait3A_603, %dma_wait3A_604] : memref<3x32x1024xf32, #tpu.memory_space<vmem>> -> memref<1x32x1024xf32, #tpu.memory_space<vmem>>
    %dma_wait3A_606 = tpu.memref_squeeze %dma_wait3A_605 : memref<1x32x1024xf32, #tpu.memory_space<vmem>> -> memref<32x1024xf32, #tpu.memory_space<vmem>>
    tpu.wait_dma2 semaphore(%arg7 : memref<!tpu.dma_semaphore, #tpu.memory_space<semaphore_mem>>) src(%dma_wait3A_606 : memref<32x1024xf32, #tpu.memory_space<vmem>>) dst(%dma_wait3A_602 : memref<32x1024xf32, #tpu.memory_space<hbm>>)
    %dma_wait3A_607 = arith.constant 1 : i32
    %dma_wait3A_608 = arith.constant 1 : i32
    %dma_wait3A_609 = arith.constant 0 : i32
    %dma_wait3A_610 = arith.constant 0 : i32
    %dma_wait3A_611 = tpu.memref_slice %arg4[%dma_wait3A_607, %dma_wait3A_609, %dma_wait3A_610] : memref<3x32x1024xf32, #tpu.memory_space<vmem>> -> memref<1x32x1024xf32, #tpu.memory_space<vmem>>
    %dma_wait3A_612 = tpu.memref_squeeze %dma_wait3A_611 : memref<1x32x1024xf32, #tpu.memory_space<vmem>> -> memref<32x1024xf32, #tpu.memory_space<vmem>>
    %dma_wait3A_613 = arith.constant 0 : i32
    %dma_wait3A_614 = arith.constant 0 : i32
    %dma_wait3A_615 = tpu.memref_slice %arg3[%dma_wait3A_608, %dma_wait3A_613, %dma_wait3A_614] : memref<4x4096x1024xf32, #tpu.memory_space<hbm>> -> memref<1x4096x1024xf32, #tpu.memory_space<hbm>>
    %dma_wait3A_616 = tpu.memref_squeeze %dma_wait3A_615 : memref<1x4096x1024xf32, #tpu.memory_space<hbm>> -> memref<4096x1024xf32, #tpu.memory_space<hbm>>
    %dma_wait3A_617 = arith.constant 0 : i32
    %dma_wait3A_618 = tpu.memref_slice %dma_wait3A_616[%add3A_171, %dma_wait3A_617] : memref<4096x1024xf32, #tpu.memory_space<hbm>> -> memref<32x1024xf32, #tpu.memory_space<hbm>>
    %dma_wait3A_619 = arith.constant 0 : i32
    %dma_wait3A_620 = arith.constant 0 : i32
    %dma_wait3A_621 = tpu.memref_slice %arg3[%dma_wait3A_608, %dma_wait3A_619, %dma_wait3A_620] : memref<4x4096x1024xf32, #tpu.memory_space<hbm>> -> memref<1x4096x1024xf32, #tpu.memory_space<hbm>>
    %dma_wait3A_622 = tpu.memref_squeeze %dma_wait3A_621 : memref<1x4096x1024xf32, #tpu.memory_space<hbm>> -> memref<4096x1024xf32, #tpu.memory_space<hbm>>
    %dma_wait3A_623 = arith.constant 0 : i32
    %dma_wait3A_624 = tpu.memref_slice %dma_wait3A_622[%add3A_171, %dma_wait3A_623] : memref<4096x1024xf32, #tpu.memory_space<hbm>> -> memref<32x1024xf32, #tpu.memory_space<hbm>>
    %dma_wait3A_625 = arith.constant 0 : i32
    %dma_wait3A_626 = arith.constant 0 : i32
    %dma_wait3A_627 = tpu.memref_slice %arg4[%dma_wait3A_607, %dma_wait3A_625, %dma_wait3A_626] : memref<3x32x1024xf32, #tpu.memory_space<vmem>> -> memref<1x32x1024xf32, #tpu.memory_space<vmem>>
    %dma_wait3A_628 = tpu.memref_squeeze %dma_wait3A_627 : memref<1x32x1024xf32, #tpu.memory_space<vmem>> -> memref<32x1024xf32, #tpu.memory_space<vmem>>
    tpu.wait_dma2 semaphore(%arg7 : memref<!tpu.dma_semaphore, #tpu.memory_space<semaphore_mem>>) src(%dma_wait3A_628 : memref<32x1024xf32, #tpu.memory_space<vmem>>) dst(%dma_wait3A_624 : memref<32x1024xf32, #tpu.memory_space<hbm>>)
    %dma_wait3A_629 = arith.constant 1 : i32
    %dma_wait3A_630 = arith.constant 2 : i32
    %dma_wait3A_631 = arith.constant 0 : i32
    %dma_wait3A_632 = arith.constant 0 : i32
    %dma_wait3A_633 = tpu.memref_slice %arg4[%dma_wait3A_629, %dma_wait3A_631, %dma_wait3A_632] : memref<3x32x1024xf32, #tpu.memory_space<vmem>> -> memref<1x32x1024xf32, #tpu.memory_space<vmem>>
    %dma_wait3A_634 = tpu.memref_squeeze %dma_wait3A_633 : memref<1x32x1024xf32, #tpu.memory_space<vmem>> -> memref<32x1024xf32, #tpu.memory_space<vmem>>
    %dma_wait3A_635 = arith.constant 0 : i32
    %dma_wait3A_636 = arith.constant 0 : i32
    %dma_wait3A_637 = tpu.memref_slice %arg3[%dma_wait3A_630, %dma_wait3A_635, %dma_wait3A_636] : memref<4x4096x1024xf32, #tpu.memory_space<hbm>> -> memref<1x4096x1024xf32, #tpu.memory_space<hbm>>
    %dma_wait3A_638 = tpu.memref_squeeze %dma_wait3A_637 : memref<1x4096x1024xf32, #tpu.memory_space<hbm>> -> memref<4096x1024xf32, #tpu.memory_space<hbm>>
    %dma_wait3A_639 = arith.constant 0 : i32
    %dma_wait3A_640 = tpu.memref_slice %dma_wait3A_638[%add3A_173, %dma_wait3A_639] : memref<4096x1024xf32, #tpu.memory_space<hbm>> -> memref<32x1024xf32, #tpu.memory_space<hbm>>
    %dma_wait3A_641 = arith.constant 0 : i32
    %dma_wait3A_642 = arith.constant 0 : i32
    %dma_wait3A_643 = tpu.memref_slice %arg3[%dma_wait3A_630, %dma_wait3A_641, %dma_wait3A_642] : memref<4x4096x1024xf32, #tpu.memory_space<hbm>> -> memref<1x4096x1024xf32, #tpu.memory_space<hbm>>
    %dma_wait3A_644 = tpu.memref_squeeze %dma_wait3A_643 : memref<1x4096x1024xf32, #tpu.memory_space<hbm>> -> memref<4096x1024xf32, #tpu.memory_space<hbm>>
    %dma_wait3A_645 = arith.constant 0 : i32
    %dma_wait3A_646 = tpu.memref_slice %dma_wait3A_644[%add3A_173, %dma_wait3A_645] : memref<4096x1024xf32, #tpu.memory_space<hbm>> -> memref<32x1024xf32, #tpu.memory_space<hbm>>
    %dma_wait3A_647 = arith.constant 0 : i32
    %dma_wait3A_648 = arith.constant 0 : i32
    %dma_wait3A_649 = tpu.memref_slice %arg4[%dma_wait3A_629, %dma_wait3A_647, %dma_wait3A_648] : memref<3x32x1024xf32, #tpu.memory_space<vmem>> -> memref<1x32x1024xf32, #tpu.memory_space<vmem>>
    %dma_wait3A_650 = tpu.memref_squeeze %dma_wait3A_649 : memref<1x32x1024xf32, #tpu.memory_space<vmem>> -> memref<32x1024xf32, #tpu.memory_space<vmem>>
    tpu.wait_dma2 semaphore(%arg7 : memref<!tpu.dma_semaphore, #tpu.memory_space<semaphore_mem>>) src(%dma_wait3A_650 : memref<32x1024xf32, #tpu.memory_space<vmem>>) dst(%dma_wait3A_646 : memref<32x1024xf32, #tpu.memory_space<hbm>>)
    %dma_wait3A_651 = arith.constant 1 : i32
    %dma_wait3A_652 = arith.constant 3 : i32
    %dma_wait3A_653 = arith.constant 0 : i32
    %dma_wait3A_654 = arith.constant 0 : i32
    %dma_wait3A_655 = tpu.memref_slice %arg4[%dma_wait3A_651, %dma_wait3A_653, %dma_wait3A_654] : memref<3x32x1024xf32, #tpu.memory_space<vmem>> -> memref<1x32x1024xf32, #tpu.memory_space<vmem>>
    %dma_wait3A_656 = tpu.memref_squeeze %dma_wait3A_655 : memref<1x32x1024xf32, #tpu.memory_space<vmem>> -> memref<32x1024xf32, #tpu.memory_space<vmem>>
    %dma_wait3A_657 = arith.constant 0 : i32
    %dma_wait3A_658 = arith.constant 0 : i32
    %dma_wait3A_659 = tpu.memref_slice %arg3[%dma_wait3A_652, %dma_wait3A_657, %dma_wait3A_658] : memref<4x4096x1024xf32, #tpu.memory_space<hbm>> -> memref<1x4096x1024xf32, #tpu.memory_space<hbm>>
    %dma_wait3A_660 = tpu.memref_squeeze %dma_wait3A_659 : memref<1x4096x1024xf32, #tpu.memory_space<hbm>> -> memref<4096x1024xf32, #tpu.memory_space<hbm>>
    %dma_wait3A_661 = arith.constant 0 : i32
    %dma_wait3A_662 = tpu.memref_slice %dma_wait3A_660[%add3A_175, %dma_wait3A_661] : memref<4096x1024xf32, #tpu.memory_space<hbm>> -> memref<32x1024xf32, #tpu.memory_space<hbm>>
    %dma_wait3A_663 = arith.constant 0 : i32
    %dma_wait3A_664 = arith.constant 0 : i32
    %dma_wait3A_665 = tpu.memref_slice %arg3[%dma_wait3A_652, %dma_wait3A_663, %dma_wait3A_664] : memref<4x4096x1024xf32, #tpu.memory_space<hbm>> -> memref<1x4096x1024xf32, #tpu.memory_space<hbm>>
    %dma_wait3A_666 = tpu.memref_squeeze %dma_wait3A_665 : memref<1x4096x1024xf32, #tpu.memory_space<hbm>> -> memref<4096x1024xf32, #tpu.memory_space<hbm>>
    %dma_wait3A_667 = arith.constant 0 : i32
    %dma_wait3A_668 = tpu.memref_slice %dma_wait3A_666[%add3A_175, %dma_wait3A_667] : memref<4096x1024xf32, #tpu.memory_space<hbm>> -> memref<32x1024xf32, #tpu.memory_space<hbm>>
    %dma_wait3A_669 = arith.constant 0 : i32
    %dma_wait3A_670 = arith.constant 0 : i32
    %dma_wait3A_671 = tpu.memref_slice %arg4[%dma_wait3A_651, %dma_wait3A_669, %dma_wait3A_670] : memref<3x32x1024xf32, #tpu.memory_space<vmem>> -> memref<1x32x1024xf32, #tpu.memory_space<vmem>>
    %dma_wait3A_672 = tpu.memref_squeeze %dma_wait3A_671 : memref<1x32x1024xf32, #tpu.memory_space<vmem>> -> memref<32x1024xf32, #tpu.memory_space<vmem>>
    tpu.wait_dma2 semaphore(%arg7 : memref<!tpu.dma_semaphore, #tpu.memory_space<semaphore_mem>>) src(%dma_wait3A_672 : memref<32x1024xf32, #tpu.memory_space<vmem>>) dst(%dma_wait3A_668 : memref<32x1024xf32, #tpu.memory_space<hbm>>)
    %dma_wait3A_673 = arith.constant 2 : i32
    %dma_wait3A_674 = arith.constant 0 : i32
    %dma_wait3A_675 = arith.constant 0 : i32
    %dma_wait3A_676 = arith.constant 0 : i32
    %dma_wait3A_677 = tpu.memref_slice %arg4[%dma_wait3A_673, %dma_wait3A_675, %dma_wait3A_676] : memref<3x32x1024xf32, #tpu.memory_space<vmem>> -> memref<1x32x1024xf32, #tpu.memory_space<vmem>>
    %dma_wait3A_678 = tpu.memref_squeeze %dma_wait3A_677 : memref<1x32x1024xf32, #tpu.memory_space<vmem>> -> memref<32x1024xf32, #tpu.memory_space<vmem>>
    %dma_wait3A_679 = arith.constant 0 : i32
    %dma_wait3A_680 = arith.constant 0 : i32
    %dma_wait3A_681 = tpu.memref_slice %arg3[%dma_wait3A_674, %dma_wait3A_679, %dma_wait3A_680] : memref<4x4096x1024xf32, #tpu.memory_space<hbm>> -> memref<1x4096x1024xf32, #tpu.memory_space<hbm>>
    %dma_wait3A_682 = tpu.memref_squeeze %dma_wait3A_681 : memref<1x4096x1024xf32, #tpu.memory_space<hbm>> -> memref<4096x1024xf32, #tpu.memory_space<hbm>>
    %dma_wait3A_683 = arith.constant 0 : i32
    %dma_wait3A_684 = tpu.memref_slice %dma_wait3A_682[%add3A_381, %dma_wait3A_683] : memref<4096x1024xf32, #tpu.memory_space<hbm>> -> memref<32x1024xf32, #tpu.memory_space<hbm>>
    %dma_wait3A_685 = arith.constant 0 : i32
    %dma_wait3A_686 = arith.constant 0 : i32
    %dma_wait3A_687 = tpu.memref_slice %arg3[%dma_wait3A_674, %dma_wait3A_685, %dma_wait3A_686] : memref<4x4096x1024xf32, #tpu.memory_space<hbm>> -> memref<1x4096x1024xf32, #tpu.memory_space<hbm>>
    %dma_wait3A_688 = tpu.memref_squeeze %dma_wait3A_687 : memref<1x4096x1024xf32, #tpu.memory_space<hbm>> -> memref<4096x1024xf32, #tpu.memory_space<hbm>>
    %dma_wait3A_689 = arith.constant 0 : i32
    %dma_wait3A_690 = tpu.memref_slice %dma_wait3A_688[%add3A_381, %dma_wait3A_689] : memref<4096x1024xf32, #tpu.memory_space<hbm>> -> memref<32x1024xf32, #tpu.memory_space<hbm>>
    %dma_wait3A_691 = arith.constant 0 : i32
    %dma_wait3A_692 = arith.constant 0 : i32
    %dma_wait3A_693 = tpu.memref_slice %arg4[%dma_wait3A_673, %dma_wait3A_691, %dma_wait3A_692] : memref<3x32x1024xf32, #tpu.memory_space<vmem>> -> memref<1x32x1024xf32, #tpu.memory_space<vmem>>
    %dma_wait3A_694 = tpu.memref_squeeze %dma_wait3A_693 : memref<1x32x1024xf32, #tpu.memory_space<vmem>> -> memref<32x1024xf32, #tpu.memory_space<vmem>>
    tpu.wait_dma2 semaphore(%arg8 : memref<!tpu.dma_semaphore, #tpu.memory_space<semaphore_mem>>) src(%dma_wait3A_694 : memref<32x1024xf32, #tpu.memory_space<vmem>>) dst(%dma_wait3A_690 : memref<32x1024xf32, #tpu.memory_space<hbm>>)
    %dma_wait3A_695 = arith.constant 2 : i32
    %dma_wait3A_696 = arith.constant 1 : i32
    %dma_wait3A_697 = arith.constant 0 : i32
    %dma_wait3A_698 = arith.constant 0 : i32
    %dma_wait3A_699 = tpu.memref_slice %arg4[%dma_wait3A_695, %dma_wait3A_697, %dma_wait3A_698] : memref<3x32x1024xf32, #tpu.memory_space<vmem>> -> memref<1x32x1024xf32, #tpu.memory_space<vmem>>
    %dma_wait3A_700 = tpu.memref_squeeze %dma_wait3A_699 : memref<1x32x1024xf32, #tpu.memory_space<vmem>> -> memref<32x1024xf32, #tpu.memory_space<vmem>>
    %dma_wait3A_701 = arith.constant 0 : i32
    %dma_wait3A_702 = arith.constant 0 : i32
    %dma_wait3A_703 = tpu.memref_slice %arg3[%dma_wait3A_696, %dma_wait3A_701, %dma_wait3A_702] : memref<4x4096x1024xf32, #tpu.memory_space<hbm>> -> memref<1x4096x1024xf32, #tpu.memory_space<hbm>>
    %dma_wait3A_704 = tpu.memref_squeeze %dma_wait3A_703 : memref<1x4096x1024xf32, #tpu.memory_space<hbm>> -> memref<4096x1024xf32, #tpu.memory_space<hbm>>
    %dma_wait3A_705 = arith.constant 0 : i32
    %dma_wait3A_706 = tpu.memref_slice %dma_wait3A_704[%add3A_383, %dma_wait3A_705] : memref<4096x1024xf32, #tpu.memory_space<hbm>> -> memref<32x1024xf32, #tpu.memory_space<hbm>>
    %dma_wait3A_707 = arith.constant 0 : i32
    %dma_wait3A_708 = arith.constant 0 : i32
    %dma_wait3A_709 = tpu.memref_slice %arg3[%dma_wait3A_696, %dma_wait3A_707, %dma_wait3A_708] : memref<4x4096x1024xf32, #tpu.memory_space<hbm>> -> memref<1x4096x1024xf32, #tpu.memory_space<hbm>>
    %dma_wait3A_710 = tpu.memref_squeeze %dma_wait3A_709 : memref<1x4096x1024xf32, #tpu.memory_space<hbm>> -> memref<4096x1024xf32, #tpu.memory_space<hbm>>
    %dma_wait3A_711 = arith.constant 0 : i32
    %dma_wait3A_712 = tpu.memref_slice %dma_wait3A_710[%add3A_383, %dma_wait3A_711] : memref<4096x1024xf32, #tpu.memory_space<hbm>> -> memref<32x1024xf32, #tpu.memory_space<hbm>>
    %dma_wait3A_713 = arith.constant 0 : i32
    %dma_wait3A_714 = arith.constant 0 : i32
    %dma_wait3A_715 = tpu.memref_slice %arg4[%dma_wait3A_695, %dma_wait3A_713, %dma_wait3A_714] : memref<3x32x1024xf32, #tpu.memory_space<vmem>> -> memref<1x32x1024xf32, #tpu.memory_space<vmem>>
    %dma_wait3A_716 = tpu.memref_squeeze %dma_wait3A_715 : memref<1x32x1024xf32, #tpu.memory_space<vmem>> -> memref<32x1024xf32, #tpu.memory_space<vmem>>
    tpu.wait_dma2 semaphore(%arg8 : memref<!tpu.dma_semaphore, #tpu.memory_space<semaphore_mem>>) src(%dma_wait3A_716 : memref<32x1024xf32, #tpu.memory_space<vmem>>) dst(%dma_wait3A_712 : memref<32x1024xf32, #tpu.memory_space<hbm>>)
    %dma_wait3A_717 = arith.constant 2 : i32
    %dma_wait3A_718 = arith.constant 2 : i32
    %dma_wait3A_719 = arith.constant 0 : i32
    %dma_wait3A_720 = arith.constant 0 : i32
    %dma_wait3A_721 = tpu.memref_slice %arg4[%dma_wait3A_717, %dma_wait3A_719, %dma_wait3A_720] : memref<3x32x1024xf32, #tpu.memory_space<vmem>> -> memref<1x32x1024xf32, #tpu.memory_space<vmem>>
    %dma_wait3A_722 = tpu.memref_squeeze %dma_wait3A_721 : memref<1x32x1024xf32, #tpu.memory_space<vmem>> -> memref<32x1024xf32, #tpu.memory_space<vmem>>
    %dma_wait3A_723 = arith.constant 0 : i32
    %dma_wait3A_724 = arith.constant 0 : i32
    %dma_wait3A_725 = tpu.memref_slice %arg3[%dma_wait3A_718, %dma_wait3A_723, %dma_wait3A_724] : memref<4x4096x1024xf32, #tpu.memory_space<hbm>> -> memref<1x4096x1024xf32, #tpu.memory_space<hbm>>
    %dma_wait3A_726 = tpu.memref_squeeze %dma_wait3A_725 : memref<1x4096x1024xf32, #tpu.memory_space<hbm>> -> memref<4096x1024xf32, #tpu.memory_space<hbm>>
    %dma_wait3A_727 = arith.constant 0 : i32
    %dma_wait3A_728 = tpu.memref_slice %dma_wait3A_726[%add3A_385, %dma_wait3A_727] : memref<4096x1024xf32, #tpu.memory_space<hbm>> -> memref<32x1024xf32, #tpu.memory_space<hbm>>
    %dma_wait3A_729 = arith.constant 0 : i32
    %dma_wait3A_730 = arith.constant 0 : i32
    %dma_wait3A_731 = tpu.memref_slice %arg3[%dma_wait3A_718, %dma_wait3A_729, %dma_wait3A_730] : memref<4x4096x1024xf32, #tpu.memory_space<hbm>> -> memref<1x4096x1024xf32, #tpu.memory_space<hbm>>
    %dma_wait3A_732 = tpu.memref_squeeze %dma_wait3A_731 : memref<1x4096x1024xf32, #tpu.memory_space<hbm>> -> memref<4096x1024xf32, #tpu.memory_space<hbm>>
    %dma_wait3A_733 = arith.constant 0 : i32
    %dma_wait3A_734 = tpu.memref_slice %dma_wait3A_732[%add3A_385, %dma_wait3A_733] : memref<4096x1024xf32, #tpu.memory_space<hbm>> -> memref<32x1024xf32, #tpu.memory_space<hbm>>
    %dma_wait3A_735 = arith.constant 0 : i32
    %dma_wait3A_736 = arith.constant 0 : i32
    %dma_wait3A_737 = tpu.memref_slice %arg4[%dma_wait3A_717, %dma_wait3A_735, %dma_wait3A_736] : memref<3x32x1024xf32, #tpu.memory_space<vmem>> -> memref<1x32x1024xf32, #tpu.memory_space<vmem>>
    %dma_wait3A_738 = tpu.memref_squeeze %dma_wait3A_737 : memref<1x32x1024xf32, #tpu.memory_space<vmem>> -> memref<32x1024xf32, #tpu.memory_space<vmem>>
    tpu.wait_dma2 semaphore(%arg8 : memref<!tpu.dma_semaphore, #tpu.memory_space<semaphore_mem>>) src(%dma_wait3A_738 : memref<32x1024xf32, #tpu.memory_space<vmem>>) dst(%dma_wait3A_734 : memref<32x1024xf32, #tpu.memory_space<hbm>>)
    %dma_wait3A_739 = arith.constant 2 : i32
    %dma_wait3A_740 = arith.constant 3 : i32
    %dma_wait3A_741 = arith.constant 0 : i32
    %dma_wait3A_742 = arith.constant 0 : i32
    %dma_wait3A_743 = tpu.memref_slice %arg4[%dma_wait3A_739, %dma_wait3A_741, %dma_wait3A_742] : memref<3x32x1024xf32, #tpu.memory_space<vmem>> -> memref<1x32x1024xf32, #tpu.memory_space<vmem>>
    %dma_wait3A_744 = tpu.memref_squeeze %dma_wait3A_743 : memref<1x32x1024xf32, #tpu.memory_space<vmem>> -> memref<32x1024xf32, #tpu.memory_space<vmem>>
    %dma_wait3A_745 = arith.constant 0 : i32
    %dma_wait3A_746 = arith.constant 0 : i32
    %dma_wait3A_747 = tpu.memref_slice %arg3[%dma_wait3A_740, %dma_wait3A_745, %dma_wait3A_746] : memref<4x4096x1024xf32, #tpu.memory_space<hbm>> -> memref<1x4096x1024xf32, #tpu.memory_space<hbm>>
    %dma_wait3A_748 = tpu.memref_squeeze %dma_wait3A_747 : memref<1x4096x1024xf32, #tpu.memory_space<hbm>> -> memref<4096x1024xf32, #tpu.memory_space<hbm>>
    %dma_wait3A_749 = arith.constant 0 : i32
    %dma_wait3A_750 = tpu.memref_slice %dma_wait3A_748[%add3A_387, %dma_wait3A_749] : memref<4096x1024xf32, #tpu.memory_space<hbm>> -> memref<32x1024xf32, #tpu.memory_space<hbm>>
    %dma_wait3A_751 = arith.constant 0 : i32
    %dma_wait3A_752 = arith.constant 0 : i32
    %dma_wait3A_753 = tpu.memref_slice %arg3[%dma_wait3A_740, %dma_wait3A_751, %dma_wait3A_752] : memref<4x4096x1024xf32, #tpu.memory_space<hbm>> -> memref<1x4096x1024xf32, #tpu.memory_space<hbm>>
    %dma_wait3A_754 = tpu.memref_squeeze %dma_wait3A_753 : memref<1x4096x1024xf32, #tpu.memory_space<hbm>> -> memref<4096x1024xf32, #tpu.memory_space<hbm>>
    %dma_wait3A_755 = arith.constant 0 : i32
    %dma_wait3A_756 = tpu.memref_slice %dma_wait3A_754[%add3A_387, %dma_wait3A_755] : memref<4096x1024xf32, #tpu.memory_space<hbm>> -> memref<32x1024xf32, #tpu.memory_space<hbm>>
    %dma_wait3A_757 = arith.constant 0 : i32
    %dma_wait3A_758 = arith.constant 0 : i32
    %dma_wait3A_759 = tpu.memref_slice %arg4[%dma_wait3A_739, %dma_wait3A_757, %dma_wait3A_758] : memref<3x32x1024xf32, #tpu.memory_space<vmem>> -> memref<1x32x1024xf32, #tpu.memory_space<vmem>>
    %dma_wait3A_760 = tpu.memref_squeeze %dma_wait3A_759 : memref<1x32x1024xf32, #tpu.memory_space<vmem>> -> memref<32x1024xf32, #tpu.memory_space<vmem>>
    tpu.wait_dma2 semaphore(%arg8 : memref<!tpu.dma_semaphore, #tpu.memory_space<semaphore_mem>>) src(%dma_wait3A_760 : memref<32x1024xf32, #tpu.memory_space<vmem>>) dst(%dma_wait3A_756 : memref<32x1024xf32, #tpu.memory_space<hbm>>)
    %dma_wait3A_761 = arith.constant 0 : i32
    %dma_wait3A_762 = arith.constant 0 : i32
    %dma_wait3A_763 = arith.constant 0 : i32
    %dma_wait3A_764 = arith.constant 0 : i32
    %dma_wait3A_765 = tpu.memref_slice %arg4[%dma_wait3A_761, %dma_wait3A_763, %dma_wait3A_764] : memref<3x32x1024xf32, #tpu.memory_space<vmem>> -> memref<1x32x1024xf32, #tpu.memory_space<vmem>>
    %dma_wait3A_766 = tpu.memref_squeeze %dma_wait3A_765 : memref<1x32x1024xf32, #tpu.memory_space<vmem>> -> memref<32x1024xf32, #tpu.memory_space<vmem>>
    %dma_wait3A_767 = arith.constant 0 : i32
    %dma_wait3A_768 = arith.constant 0 : i32
    %dma_wait3A_769 = tpu.memref_slice %arg3[%dma_wait3A_762, %dma_wait3A_767, %dma_wait3A_768] : memref<4x4096x1024xf32, #tpu.memory_space<hbm>> -> memref<1x4096x1024xf32, #tpu.memory_space<hbm>>
    %dma_wait3A_770 = tpu.memref_squeeze %dma_wait3A_769 : memref<1x4096x1024xf32, #tpu.memory_space<hbm>> -> memref<4096x1024xf32, #tpu.memory_space<hbm>>
    %dma_wait3A_771 = arith.constant 0 : i32
    %dma_wait3A_772 = tpu.memref_slice %dma_wait3A_770[%add3A_490, %dma_wait3A_771] : memref<4096x1024xf32, #tpu.memory_space<hbm>> -> memref<32x1024xf32, #tpu.memory_space<hbm>>
    %dma_wait3A_773 = arith.constant 0 : i32
    %dma_wait3A_774 = arith.constant 0 : i32
    %dma_wait3A_775 = tpu.memref_slice %arg3[%dma_wait3A_762, %dma_wait3A_773, %dma_wait3A_774] : memref<4x4096x1024xf32, #tpu.memory_space<hbm>> -> memref<1x4096x1024xf32, #tpu.memory_space<hbm>>
    %dma_wait3A_776 = tpu.memref_squeeze %dma_wait3A_775 : memref<1x4096x1024xf32, #tpu.memory_space<hbm>> -> memref<4096x1024xf32, #tpu.memory_space<hbm>>
    %dma_wait3A_777 = arith.constant 0 : i32
    %dma_wait3A_778 = tpu.memref_slice %dma_wait3A_776[%add3A_490, %dma_wait3A_777] : memref<4096x1024xf32, #tpu.memory_space<hbm>> -> memref<32x1024xf32, #tpu.memory_space<hbm>>
    %dma_wait3A_779 = arith.constant 0 : i32
    %dma_wait3A_780 = arith.constant 0 : i32
    %dma_wait3A_781 = tpu.memref_slice %arg4[%dma_wait3A_761, %dma_wait3A_779, %dma_wait3A_780] : memref<3x32x1024xf32, #tpu.memory_space<vmem>> -> memref<1x32x1024xf32, #tpu.memory_space<vmem>>
    %dma_wait3A_782 = tpu.memref_squeeze %dma_wait3A_781 : memref<1x32x1024xf32, #tpu.memory_space<vmem>> -> memref<32x1024xf32, #tpu.memory_space<vmem>>
    tpu.wait_dma2 semaphore(%arg6 : memref<!tpu.dma_semaphore, #tpu.memory_space<semaphore_mem>>) src(%dma_wait3A_782 : memref<32x1024xf32, #tpu.memory_space<vmem>>) dst(%dma_wait3A_778 : memref<32x1024xf32, #tpu.memory_space<hbm>>)
    %dma_wait3A_783 = arith.constant 0 : i32
    %dma_wait3A_784 = arith.constant 1 : i32
    %dma_wait3A_785 = arith.constant 0 : i32
    %dma_wait3A_786 = arith.constant 0 : i32
    %dma_wait3A_787 = tpu.memref_slice %arg4[%dma_wait3A_783, %dma_wait3A_785, %dma_wait3A_786] : memref<3x32x1024xf32, #tpu.memory_space<vmem>> -> memref<1x32x1024xf32, #tpu.memory_space<vmem>>
    %dma_wait3A_788 = tpu.memref_squeeze %dma_wait3A_787 : memref<1x32x1024xf32, #tpu.memory_space<vmem>> -> memref<32x1024xf32, #tpu.memory_space<vmem>>
    %dma_wait3A_789 = arith.constant 0 : i32
    %dma_wait3A_790 = arith.constant 0 : i32
    %dma_wait3A_791 = tpu.memref_slice %arg3[%dma_wait3A_784, %dma_wait3A_789, %dma_wait3A_790] : memref<4x4096x1024xf32, #tpu.memory_space<hbm>> -> memref<1x4096x1024xf32, #tpu.memory_space<hbm>>
    %dma_wait3A_792 = tpu.memref_squeeze %dma_wait3A_791 : memref<1x4096x1024xf32, #tpu.memory_space<hbm>> -> memref<4096x1024xf32, #tpu.memory_space<hbm>>
    %dma_wait3A_793 = arith.constant 0 : i32
    %dma_wait3A_794 = tpu.memref_slice %dma_wait3A_792[%add3A_492, %dma_wait3A_793] : memref<4096x1024xf32, #tpu.memory_space<hbm>> -> memref<32x1024xf32, #tpu.memory_space<hbm>>
    %dma_wait3A_795 = arith.constant 0 : i32
    %dma_wait3A_796 = arith.constant 0 : i32
    %dma_wait3A_797 = tpu.memref_slice %arg3[%dma_wait3A_784, %dma_wait3A_795, %dma_wait3A_796] : memref<4x4096x1024xf32, #tpu.memory_space<hbm>> -> memref<1x4096x1024xf32, #tpu.memory_space<hbm>>
    %dma_wait3A_798 = tpu.memref_squeeze %dma_wait3A_797 : memref<1x4096x1024xf32, #tpu.memory_space<hbm>> -> memref<4096x1024xf32, #tpu.memory_space<hbm>>
    %dma_wait3A_799 = arith.constant 0 : i32
    %dma_wait3A_800 = tpu.memref_slice %dma_wait3A_798[%add3A_492, %dma_wait3A_799] : memref<4096x1024xf32, #tpu.memory_space<hbm>> -> memref<32x1024xf32, #tpu.memory_space<hbm>>
    %dma_wait3A_801 = arith.constant 0 : i32
    %dma_wait3A_802 = arith.constant 0 : i32
    %dma_wait3A_803 = tpu.memref_slice %arg4[%dma_wait3A_783, %dma_wait3A_801, %dma_wait3A_802] : memref<3x32x1024xf32, #tpu.memory_space<vmem>> -> memref<1x32x1024xf32, #tpu.memory_space<vmem>>
    %dma_wait3A_804 = tpu.memref_squeeze %dma_wait3A_803 : memref<1x32x1024xf32, #tpu.memory_space<vmem>> -> memref<32x1024xf32, #tpu.memory_space<vmem>>
    tpu.wait_dma2 semaphore(%arg6 : memref<!tpu.dma_semaphore, #tpu.memory_space<semaphore_mem>>) src(%dma_wait3A_804 : memref<32x1024xf32, #tpu.memory_space<vmem>>) dst(%dma_wait3A_800 : memref<32x1024xf32, #tpu.memory_space<hbm>>)
    %dma_wait3A_805 = arith.constant 0 : i32
    %dma_wait3A_806 = arith.constant 2 : i32
    %dma_wait3A_807 = arith.constant 0 : i32
    %dma_wait3A_808 = arith.constant 0 : i32
    %dma_wait3A_809 = tpu.memref_slice %arg4[%dma_wait3A_805, %dma_wait3A_807, %dma_wait3A_808] : memref<3x32x1024xf32, #tpu.memory_space<vmem>> -> memref<1x32x1024xf32, #tpu.memory_space<vmem>>
    %dma_wait3A_810 = tpu.memref_squeeze %dma_wait3A_809 : memref<1x32x1024xf32, #tpu.memory_space<vmem>> -> memref<32x1024xf32, #tpu.memory_space<vmem>>
    %dma_wait3A_811 = arith.constant 0 : i32
    %dma_wait3A_812 = arith.constant 0 : i32
    %dma_wait3A_813 = tpu.memref_slice %arg3[%dma_wait3A_806, %dma_wait3A_811, %dma_wait3A_812] : memref<4x4096x1024xf32, #tpu.memory_space<hbm>> -> memref<1x4096x1024xf32, #tpu.memory_space<hbm>>
    %dma_wait3A_814 = tpu.memref_squeeze %dma_wait3A_813 : memref<1x4096x1024xf32, #tpu.memory_space<hbm>> -> memref<4096x1024xf32, #tpu.memory_space<hbm>>
    %dma_wait3A_815 = arith.constant 0 : i32
    %dma_wait3A_816 = tpu.memref_slice %dma_wait3A_814[%add3A_494, %dma_wait3A_815] : memref<4096x1024xf32, #tpu.memory_space<hbm>> -> memref<32x1024xf32, #tpu.memory_space<hbm>>
    %dma_wait3A_817 = arith.constant 0 : i32
    %dma_wait3A_818 = arith.constant 0 : i32
    %dma_wait3A_819 = tpu.memref_slice %arg3[%dma_wait3A_806, %dma_wait3A_817, %dma_wait3A_818] : memref<4x4096x1024xf32, #tpu.memory_space<hbm>> -> memref<1x4096x1024xf32, #tpu.memory_space<hbm>>
    %dma_wait3A_820 = tpu.memref_squeeze %dma_wait3A_819 : memref<1x4096x1024xf32, #tpu.memory_space<hbm>> -> memref<4096x1024xf32, #tpu.memory_space<hbm>>
    %dma_wait3A_821 = arith.constant 0 : i32
    %dma_wait3A_822 = tpu.memref_slice %dma_wait3A_820[%add3A_494, %dma_wait3A_821] : memref<4096x1024xf32, #tpu.memory_space<hbm>> -> memref<32x1024xf32, #tpu.memory_space<hbm>>
    %dma_wait3A_823 = arith.constant 0 : i32
    %dma_wait3A_824 = arith.constant 0 : i32
    %dma_wait3A_825 = tpu.memref_slice %arg4[%dma_wait3A_805, %dma_wait3A_823, %dma_wait3A_824] : memref<3x32x1024xf32, #tpu.memory_space<vmem>> -> memref<1x32x1024xf32, #tpu.memory_space<vmem>>
    %dma_wait3A_826 = tpu.memref_squeeze %dma_wait3A_825 : memref<1x32x1024xf32, #tpu.memory_space<vmem>> -> memref<32x1024xf32, #tpu.memory_space<vmem>>
    tpu.wait_dma2 semaphore(%arg6 : memref<!tpu.dma_semaphore, #tpu.memory_space<semaphore_mem>>) src(%dma_wait3A_826 : memref<32x1024xf32, #tpu.memory_space<vmem>>) dst(%dma_wait3A_822 : memref<32x1024xf32, #tpu.memory_space<hbm>>)
    %dma_wait3A_827 = arith.constant 0 : i32
    %dma_wait3A_828 = arith.constant 3 : i32
    %dma_wait3A_829 = arith.constant 0 : i32
    %dma_wait3A_830 = arith.constant 0 : i32
    %dma_wait3A_831 = tpu.memref_slice %arg4[%dma_wait3A_827, %dma_wait3A_829, %dma_wait3A_830] : memref<3x32x1024xf32, #tpu.memory_space<vmem>> -> memref<1x32x1024xf32, #tpu.memory_space<vmem>>
    %dma_wait3A_832 = tpu.memref_squeeze %dma_wait3A_831 : memref<1x32x1024xf32, #tpu.memory_space<vmem>> -> memref<32x1024xf32, #tpu.memory_space<vmem>>
    %dma_wait3A_833 = arith.constant 0 : i32
    %dma_wait3A_834 = arith.constant 0 : i32
    %dma_wait3A_835 = tpu.memref_slice %arg3[%dma_wait3A_828, %dma_wait3A_833, %dma_wait3A_834] : memref<4x4096x1024xf32, #tpu.memory_space<hbm>> -> memref<1x4096x1024xf32, #tpu.memory_space<hbm>>
    %dma_wait3A_836 = tpu.memref_squeeze %dma_wait3A_835 : memref<1x4096x1024xf32, #tpu.memory_space<hbm>> -> memref<4096x1024xf32, #tpu.memory_space<hbm>>
    %dma_wait3A_837 = arith.constant 0 : i32
    %dma_wait3A_838 = tpu.memref_slice %dma_wait3A_836[%add3A_496, %dma_wait3A_837] : memref<4096x1024xf32, #tpu.memory_space<hbm>> -> memref<32x1024xf32, #tpu.memory_space<hbm>>
    %dma_wait3A_839 = arith.constant 0 : i32
    %dma_wait3A_840 = arith.constant 0 : i32
    %dma_wait3A_841 = tpu.memref_slice %arg3[%dma_wait3A_828, %dma_wait3A_839, %dma_wait3A_840] : memref<4x4096x1024xf32, #tpu.memory_space<hbm>> -> memref<1x4096x1024xf32, #tpu.memory_space<hbm>>
    %dma_wait3A_842 = tpu.memref_squeeze %dma_wait3A_841 : memref<1x4096x1024xf32, #tpu.memory_space<hbm>> -> memref<4096x1024xf32, #tpu.memory_space<hbm>>
    %dma_wait3A_843 = arith.constant 0 : i32
    %dma_wait3A_844 = tpu.memref_slice %dma_wait3A_842[%add3A_496, %dma_wait3A_843] : memref<4096x1024xf32, #tpu.memory_space<hbm>> -> memref<32x1024xf32, #tpu.memory_space<hbm>>
    %dma_wait3A_845 = arith.constant 0 : i32
    %dma_wait3A_846 = arith.constant 0 : i32
    %dma_wait3A_847 = tpu.memref_slice %arg4[%dma_wait3A_827, %dma_wait3A_845, %dma_wait3A_846] : memref<3x32x1024xf32, #tpu.memory_space<vmem>> -> memref<1x32x1024xf32, #tpu.memory_space<vmem>>
    %dma_wait3A_848 = tpu.memref_squeeze %dma_wait3A_847 : memref<1x32x1024xf32, #tpu.memory_space<vmem>> -> memref<32x1024xf32, #tpu.memory_space<vmem>>
    tpu.wait_dma2 semaphore(%arg6 : memref<!tpu.dma_semaphore, #tpu.memory_space<semaphore_mem>>) src(%dma_wait3A_848 : memref<32x1024xf32, #tpu.memory_space<vmem>>) dst(%dma_wait3A_844 : memref<32x1024xf32, #tpu.memory_space<hbm>>)
    return
  }
}

</mosaic_0001>

<sc_bundles>
// kernel: kernel.3.cloned.1.call-start
scs
__scs_entry_jumppad:
0x0: {  	(pc) =	sbr.rel $0x88, $3  }
0x1: {  	(tag) =	ssettag $0x0;
	lr =	simm.s32 $0x1  }
0x2: {  	[smem:$0x3FA0] =	sst lr;
	_ =	strace $0xD0000000  }
0x3: {  	_ = 	snop  }
0x4: {  	_ = 	snop  }
0x5: {  	_ = 	snop  }
0x6: {  	_ = 	snop  }
0x7: {  	_ = 	snop  }
__scs_overlays_trampoline_lowered:
0x8: {  	[smem:$0x3FAF] =	sst s0  }
0x9: {  	[smem:$0x3FB0] =	sst s1  }
0xa: {  	[smem:$0x3FB1] =	sst s2  }
0xb: {  	[smem:$0x3FB2] =	sst s3  }
0xc: {  	[smem:$0x3FB3] =	sst s4  }
0xd: {  	[smem:$0x3FB4] =	sst s5  }
0xe: {  	[smem:$0x3FB5] =	sst s6  }
0xf: {  	[smem:$0x3FB6] =	sst s7  }
0x10: {  	[smem:$0x3FB7] =	sst s8  }
0x11: {  	[smem:$0x3FB8] =	sst s9;
	s0 =	simm.s32 @!p0 $0x0  }
0x12: {  	s1 =	sld [smem:$0x3F9E];
	s0 =	simm.s32 @p0 $0x1  }
0x13: {  	[smem:$0x3FB9] =	sst s0;
	s0 =	simm.s32 @!p1 $0x0  }
0x14: {  	s2 =	sld [smem:$0x3F9D];
	s0 =	simm.s32 @p1 $0x1  }
0x15: {  	[smem:$0x3FBA] =	sst s0;
	s0 =	simm.s32 @!p2 $0x0  }
0x16: {  	s3 =	sld [smem:$0x3FDB];
	s0 =	simm.s32 @p2 $0x1  }
0x17: {  	s4 =	simm.s32 $0x1BF5;
	[smem:$0x3FBC] =	sst s0  }
0x18: {  	s0 =	sld [smem:$0x3F9F];
	_ =	swait.ge [sflag:s4], $0x0  }
0x19: {  	s7 =	sld [smem:$0x3FA0]  }
0x1a: {  	s8 =	sadd.s32 $0xFFFFE003, lr  }
0x1b: {  	s9 =	sadd.s32 $0xFFFFFEF7, lr;
	s5 =	simm.s32 $0xFFFFFFFF;
	p2 =	slt.u32 s8, $0xFFFFF086  }
0x1c: {  	p1 =	slt.u32 s9, $0xF7A;
	s5 =	simm.s32 @!p2 $0x0  }
0x1d: {  	s5 =	simm.s32 @p1 $0x1;
	p0 =	seq.s32 s7, s2  }
0x1e: {  	s7 =	smul.u32 @!p0 $0xF7A, s2;
	p2 =	seq.s32 @!p0 s5, $0x0  }
0x1f: {  	s9 =	smul.u32 $0xF7A, s1;
	s8 =	simm.s32 @!p0 $0x1BF5;
	p2 =	por !p2, p0  }
0x20: {  	[sflag:s8] =	ssyncset.s32 @!p0 $0xFFFFF086;
	s6 =	sadd.s32 @!p0 s3, s7;
	s7 =	simm.s32 @!p0 $0x108  }
0x21: {  	s3 =	sadd.s32 s3, s9;
	s6 =	sadd.s32 @!p0 $0x88, s6;
	s7 =	simm.s32 @p2 $0x1082  }
0x22: {  	[simem:s7], [sflag:s8] =	dma.local @!p0 [hbm:s6], $0xF7A  }
0x23: {  	s9 =	sor.u32 $0xD0000000, s2;
	s6 =	simm.s32 $0x108;
	_ =	swait.ge @!p0 [sflag:s8], $0x0  }
0x24: {  	s3 =	sadd.s32 $0x88, s3;
	s6 =	simm.s32 @!p1 $0x1082;
	[sflag:s4] =	ssyncset.s32 $0xFFFFF086  }
0x25: {  	[simem:s6], [sflag:s4] =	dma.local [hbm:s3], $0xF7A  }
0x26: {  	[smem:$0x3FA0] =	sst s1;
	(tag) =	ssettag s2;
	_ =	strace s9  }
0x27: {  	s1 =	sld [smem:$0x3FB0]  }
0x28: {  	s2 =	sld [smem:$0x3FB1]  }
0x29: {  	s4 =	sld [smem:$0x3FB3]  }
0x2a: {  	p0 =	seq.s32 s5, $0x0;
	s5 =	sld [smem:$0x3FB4]  }
0x2b: {  	s6 =	sld [smem:$0x3FB5]  }
0x2c: {  	s7 =	sld [smem:$0x3FB6]  }
0x2d: {  	s3 =	simm.s32 $0x108;
	s8 =	sld [smem:$0x3FB7]  }
0x2e: {  	s3 =	simm.s32 @!p0 $0x1082;
	s9 =	sld [smem:$0x3FB8]  }
0x2f: {  	lr =	sadd.s32 s0, s3;
	s0 =	sld [smem:$0x3FAF]  }
0x30: {  	s3 =	sld [smem:$0x3FB2]  }
0x31: {  	[smem:$0x3FBB] =	sst s10  }
0x32: {  	s10 =	sld [smem:$0x3FB9];
	_ =	sdelay $0x3  }
0x33: {  	p0 =	seq.s32 s10, $0x1;
	s10 =	sld [smem:$0x3FBB];
	_ =	sdelay $0x3  }
0x34: {  	[smem:$0x3FBB] =	sst s10  }
0x35: {  	s10 =	sld [smem:$0x3FBA];
	_ =	sdelay $0x3  }
0x36: {  	p1 =	seq.s32 s10, $0x1;
	s10 =	sld [smem:$0x3FBB];
	_ =	sdelay $0x3  }
0x37: {  	[smem:$0x3FBB] =	sst s10  }
0x38: {  	s10 =	sld [smem:$0x3FBC]  }
0x39: {  	_ = 	snop;
	(pc) =	sbr.ind lr, $3  }
0x3a: {  	_ = 	snop  }
0x3b: {  	_ = 	snop  }
0x3c: {  	p2 =	seq.s32 s10, $0x1;
	s10 =	sld [smem:$0x3FBB]  }
0x3d: {  	_ =	shalt  }
0x3e: {  	_ =	shalt  }
0x3f: {  	_ =	shalt  }
0x40: {  	_ =	shalt  }
0x41: {  	_ =	shalt  }
0x42: {  	_ =	shalt  }
0x43: {  	_ =	shalt  }
0x44: {  	_ =	shalt  }
0x45: {  	_ =	shalt  }
0x46: {  	_ =	shalt  }
0x47: {  	_ =	shalt  }
0x48: {  	_ =	shalt  }
0x49: {  	_ =	shalt  }
0x4a: {  	_ =	shalt  }
0x4b: {  	_ =	shalt  }
0x4c: {  	_ =	shalt  }
0x4d: {  	_ =	shalt  }
0x4e: {  	_ =	shalt  }
0x4f: {  	_ =	shalt  }
0x50: {  	_ =	shalt  }
0x51: {  	_ =	shalt  }
0x52: {  	_ =	shalt  }
0x53: {  	_ =	shalt  }
0x54: {  	_ =	shalt  }
0x55: {  	_ =	shalt  }
0x56: {  	_ =	shalt  }
0x57: {  	_ =	shalt  }
0x58: {  	_ =	shalt  }
0x59: {  	_ =	shalt  }
0x5a: {  	_ =	shalt  }
0x5b: {  	_ =	shalt  }
0x5c: {  	_ =	shalt  }
0x5d: {  	_ =	shalt  }
0x5e: {  	_ =	shalt  }
0x5f: {  	_ =	shalt  }
0x60: {  	_ =	shalt  }
0x61: {  	_ =	shalt  }
0x62: {  	_ =	shalt  }
0x63: {  	_ =	shalt  }
0x64: {  	_ =	shalt  }
0x65: {  	_ =	shalt  }
0x66: {  	_ =	shalt  }
0x67: {  	_ =	shalt  }
0x68: {  	_ =	shalt  }
0x69: {  	_ =	shalt  }
0x6a: {  	_ =	shalt  }
0x6b: {  	_ =	shalt  }
0x6c: {  	_ =	shalt  }
0x6d: {  	_ =	shalt  }
0x6e: {  	_ =	shalt  }
0x6f: {  	_ =	shalt  }
0x70: {  	_ =	shalt  }
0x71: {  	_ =	shalt  }
0x72: {  	_ =	shalt  }
0x73: {  	_ =	shalt  }
0x74: {  	_ =	shalt  }
0x75: {  	_ =	shalt  }
0x76: {  	_ =	shalt  }
0x77: {  	_ =	shalt  }
0x78: {  	_ =	shalt  }
0x79: {  	_ =	shalt  }
0x7a: {  	_ =	shalt  }
0x7b: {  	_ =	shalt  }
0x7c: {  	_ =	shalt  }
0x7d: {  	_ =	shalt  }
0x7e: {  	_ =	shalt  }
0x7f: {  	_ =	shalt  }
0x80: {  	_ =	shalt  }
0x81: {  	_ =	shalt  }
0x82: {  	_ =	shalt  }
0x83: {  	_ =	shalt  }
0x84: {  	_ =	shalt  }
0x85: {  	_ =	shalt  }
0x86: {  	_ =	shalt  }
0x87: {  	_ =	shalt  }
.Lfunc_end0:
.L_simem_size_0:
called_computation_lowered:
.L_overlay_start_0:
0x88: {  	s2 =	sld [smem:$0x3FD9]  }
0x89: {  	s3 =	sld [smem:$0x3FFE];
	_ =	sdelay $0x1  }
0x8a: {  	s1 =	srdreg.scid  }
0x8b: {  	s0 =	sand.u32 $0x1, s1  }
0x8c: {  	s18 =	sshll.u32 s0, $0xA;
	s2 =	sadd.s32 s3, s2  }
0x8d: {  	s2 =	sadd.s32 s2, s18  }
0x8e: {  	[smem:$0x3FC7] =	sst s2  }
0x8f: {  	_ = 	snop  }
0x90: {  	s2 =	sld [smem:$0x3FC9]  }
0x91: {  	s19 =	sld [smem:$0x3FD0];
	(tm) =	ssettm $0x1  }
0x92: {  	s4 =	sld [smem:$0x3FFB];
	_ =	sdelay $0x3  }
0x93: {  	_ =	strace s4  }
0x94: {  	s4 =	sld [smem:$0x3FFC];
	_ =	sdelay $0x3  }
0x95: {  	_ =	strace s4  }
0x96: {  	s4 =	sld [smem:$0x3FFD];
	_ =	sdelay $0x3  }
0x97: {  	_ =	strace s4  }
0x98: {  	_ =	strace $0x8FFFFFFF  }
0x99: {  	s20 =	sld [smem:$0x3FDB];
	_ =	sdelay $0x1  }
0x9a: {  	s5 =	simm.s32 $_scs_section_size  }
0x9b: {  	s6 =	simm.s32 $_size__tile_overlayer_lowered;
	s7 =	simm.s32 $_tile_overlayer_lowered  }
0x9c: {  	s23 =	simm.s32 $0x1BFF;
	s22 =	sshll.u32 s7, $0x1;
	s4 =	sadd.s32 s5, s20  }
0x9d: {  	s8 =	simm.s32 $0x0;
	s21 =	sshll.u32 s6, $0x1;
	s6 =	sadd.s32 s22, s4  }
0x9e: {  	[timem:s8], [sflag:s23] =	dma.local [hbm:s6], s21  }
0x9f: {  	_ =	swait.ge [sflag:s23], s21  }
0xa0: {  	s5 =	ssub.s32 $0x0, s21;
	[sflag:s23] =	ssyncset.done $0x0  }
0xa1: {  	[sflag:s23] =	ssyncadd.s32 s5;
	_ =	sdelay $0x1  }
0xa2: {  	s24 =	simm.s32 $0x1B8B  }
0xa3: {  	_ =	swait.ge [sflag:s24], $0x1  }
0xa4: {  	[sflag:s24] =	ssyncset.done $0x0  }
0xa5: {  	s25 =	simm.s32 $0x1B8E;
	[sflag:s24] =	ssyncadd.s32 $0xFFFFFFFF  }
0xa6: {  	s26 =	simm.s32 $execute0_lowered;
	[smem:$0x3FD2] =	sst s25  }
0xa7: {  	s5 =	sshll.u32 s26, $0x1;
	_ =	strace $0x80000046;
	[dreg:$0x1] =	wrdreg $0xFFFFFFFF  }
0xa8: {  	s28 =	simm.s32 $_size_execute0_lowered;
	s4 =	sadd.s32 s4, s5;
	[dreg:$0x0] =	wrdreg $0x0  }
0xa9: {  	s5 =	sshll.u32 s28, $0x1;
	[dreg:$0x2] =	wrdreg s4  }
0xaa: {  	[dreg:$0x3] =	wrdreg s5  }
0xab: {  	[dreg:$0x4] =	wrdreg $0xC0  }
0xac: {  	_ =	task [dreg:s8], $0x5FFFF  }
0xad: {  	[dreg:$0x1] =	wrdreg $0xFFFFFFFF  }
0xae: {  	[dreg:$0x0] =	wrdreg $0x60  }
0xaf: {  	[dreg:$0x2] =	wrdreg s2  }
0xb0: {  	[dreg:$0x3] =	wrdreg s19  }
0xb1: {  	[dreg:$0x4] =	wrdreg $0x9  }
0xb2: {  	_ =	task.clear_ibuf [dreg:s8], $0x5FFFF;
	_ =	strace $0x90000046  }
0xb3: {  	s29 =	simm.s32 $0x9;
	_ =	strace $0x80000048  }
0xb4: {  	_ =	swait.ge [sflag:s29], $0x1  }
0xb5: {  	[sflag:s29] =	ssyncadd.s32 $0xFFFFFFFF  }
0xb6: {  	_ =	strace $0x90000048  }
0xb7: {  	_ =	sfence  }
0xb8: {  	s30 =	sld [smem:$0x0];
	_ =	sdelay $0x2  }
0xb9: {  	s31 =	sshll.u32 s1, $0xD;
	s1 =	sshrl.u32 s1, $0x2  }
0xba: {  	s3 =	sand.u32 $0x4000, s31;
	s1 =	sadd.s32 s1, s30  }
0xbb: {  	s0 =	sor.u32 s3, s0;
	s1 =	sshll.u32 s1, $0x11  }
0xbc: {  	s0 =	sor.u32 s1, s0  }
0xbd: {  	s0 =	sadd.s32 $0x8F2B, s0  }
0xbe: {  	[sflag:s0] =	ssyncadd.remote.s32 $0x1  }
0xbf: {  	_ =	sfence.sel $0xFFFF  }
0xc0: {  	[dreg:$0x0] =	wrdreg $0xFFFFFFFF;
	(pc) =	sbr.abs _section_cstart, $3  }
0xc1: {  	[dreg:$0x1] =	wrdreg $0xFFFFFFFF  }
0xc2: {  	_ =	task.clear_ibuf [dreg:s8], $0x2FFFF;
	_ =	strace $0x9FFFFFFF  }
0xc3: {  	(tm) =	ssettm $0x7FFFFFFF  }
tec
execute0_lowered:
.L_overlay_start_1:
0x0: {  	(tag) =	ssettag $0x1  }
0x1: {  	s0 =	rddreg [dreg:$0x0]  }
0x2: {  	s1 =	rddreg [dreg:$0x1]  }
0x3: {  	s26 =	rddreg [dreg:$0x2];
	s3 =	srdreg.scid  }
0x4: {  	s2 =	simm.s32 $0x0;
	s28 =	stileid.u32;
	s19 =	simm.s32 $0x8000  }
0x5: {  	s12 =	simm.s32 $0x1;
	s14 =	simm.s32 $0x10000;
	p0 =	por $0x0, $0x0  }
0x6: {  	s3 =	sand.u32 $0x1, s3;
	[smem:$0x7FF] =	sst s2;
	s4 =	sshll.u32 s28, $0xF  }
0x7: {  	s7 =	sadd.s32 $0x80000, s1;
	s29 =	sadd.s32 $0x180000, s1;
	s5 =	sshll.u32 s3, $0xE  }
0x8: {  	_ =	strace $0x80000047;
	s3 =	ssub.s32 $0x2, s3;
	s4 =	sor.u32 s5, s4  }
0x9: {  	s6 =	sshrl.u32 s3, $0x1;
	s5 =	sadd.s32 s0, s4;
	s9 =	sor.u32 $0x1000, s4  }
0xa: {  	s3 =	ssub.s32 s3, s6;
	s17 =	sadd.s32 s1, s4;
	s6 =	sadd.s32 $0x100000, s1  }
0xb: {  	s10 =	sor.u32 $0x2000, s4;
	s8 =	sor.u32 $0x3000, s4;
	s23 =	sadd.s32 s4, s7  }
0xc: {  	s25 =	sadd.s32 s4, s29;
	[dreg:$0x3] =	wrdreg s5;
	s31 =	smax.u32 s3, $0x1  }
0xd: {  	s30 =	sadd.s32 s0, s9;
	s18 =	sadd.s32 s0, s10;
	p1 =	sne.s32 s31, $0x1  }
.Ltmp0:
0xe: {  	s16 =	sadd.s32 s1, s9;
	s15 =	sadd.s32 s0, s8;
	(pc) =	sbr.rel @!p1 .LBB2_5-.Ltmp0, $4  }
0xf: {  	s13 =	sadd.s32 s1, s10;
	s11 =	sadd.s32 s1, s8;
	s24 =	sadd.s32 s4, s6  }
0x10: {  	s20 =	sadd.s32 s9, s7;
	s21 =	sadd.s32 s9, s6;
	s22 =	sadd.s32 s9, s29  }
0x11: {  	s3 =	simm.s32 $0x2;
	s9 =	simm.s32 $0x3;
	[dreg:$0x4] =	wrdreg s30  }
0x12: {  	s4 =	simm.s32 $0x4;
	s1 =	sadd.s32 $0xFFFFFFFF, s31;
	s5 =	rddreg [dreg:$0x3]  }
0x13: {  	[tilespmem:s2], [sflag:$0x1] =	stream.linear.gather [hbm4b:s5+s2], $0x8000, $0x38;
	[tilespmem:$0x18000] =	vst v63  }
0x14: {  	s0 =	rddreg [dreg:$0x4]  }
0x15: {  	[tilespmem:s19], [sflag:$0x1] =	stream.linear.gather [hbm4b:s0+s2], $0x8000, $0x38;
	[tilespmem:$0x18000] =	vst v63  }
0x16: {  	_ =	swait.ge [sflag:s12], $0x8000  }
0x17: {  	[sflag:s12] =	ssyncset.done $0x0  }
0x18: {  	[sflag:s12] =	ssyncadd.s32 $0xFFFF8000  }
0x19: {  	[hbm4b:s17+s2] =	stream.linear.scatter [tilespmem:s2], [sflag:$0x2], $0x8000, $0x38;
	[tilespmem:$0x18000] =	vst v63  }
0x1a: {  	_ = 	snop  }
0x1b: {  	[hbm4b:s23+s2] =	stream.linear.scatter [tilespmem:s2], [sflag:$0x2], $0x8000, $0x38;
	[tilespmem:$0x18000] =	vst v63  }
0x1c: {  	_ = 	snop  }
0x1d: {  	[hbm4b:s24+s2] =	stream.linear.scatter [tilespmem:s2], [sflag:$0x2], $0x8000, $0x38;
	[tilespmem:$0x18000] =	vst v63  }
0x1e: {  	_ = 	snop  }
0x1f: {  	[hbm4b:s25+s2] =	stream.linear.scatter [tilespmem:s2], [sflag:$0x2], $0x8000, $0x38;
	[tilespmem:$0x18000] =	vst v63  }
0x20: {  	_ = 	snop  }
0x21: {  	[tilespmem:s14], [sflag:$0x1] =	stream.linear.gather [hbm4b:s18+s2], $0x8000, $0x38;
	[tilespmem:$0x18000] =	vst v63  }
0x22: {  	_ =	swait.ge [sflag:s12], $0x8000  }
0x23: {  	[sflag:s12] =	ssyncset.done $0x0  }
0x24: {  	[sflag:s12] =	ssyncadd.s32 $0xFFFF8000  }
0x25: {  	[hbm4b:s16+s2] =	stream.linear.scatter [tilespmem:s19], [sflag:$0x3], $0x8000, $0x38;
	[tilespmem:$0x18000] =	vst v63  }
0x26: {  	_ = 	snop  }
0x27: {  	[hbm4b:s20+s2] =	stream.linear.scatter [tilespmem:s19], [sflag:$0x3], $0x8000, $0x38;
	[tilespmem:$0x18000] =	vst v63  }
0x28: {  	_ = 	snop  }
0x29: {  	[hbm4b:s21+s2] =	stream.linear.scatter [tilespmem:s19], [sflag:$0x3], $0x8000, $0x38;
	[tilespmem:$0x18000] =	vst v63  }
0x2a: {  	_ = 	snop  }
0x2b: {  	[hbm4b:s22+s2] =	stream.linear.scatter [tilespmem:s19], [sflag:$0x3], $0x8000, $0x38;
	[tilespmem:$0x18000] =	vst v63  }
0x2c: {  	_ =	swait.ge [sflag:s3], $0x8000  }
0x2d: {  	[sflag:s3] =	ssyncset.done $0x0  }
0x2e: {  	[sflag:s3] =	ssyncadd.s32 $0xFFFF8000  }
0x2f: {  	_ =	swait.ge [sflag:s3], $0x8000  }
0x30: {  	[sflag:s3] =	ssyncset.done $0x0  }
0x31: {  	[sflag:s3] =	ssyncadd.s32 $0xFFFF8000  }
0x32: {  	_ =	swait.ge [sflag:s3], $0x8000  }
0x33: {  	[sflag:s3] =	ssyncset.done $0x0  }
0x34: {  	[sflag:s3] =	ssyncadd.s32 $0xFFFF8000  }
0x35: {  	_ =	swait.ge [sflag:s3], $0x8000  }
0x36: {  	[sflag:s3] =	ssyncset.done $0x0  }
0x37: {  	[sflag:s3] =	ssyncadd.s32 $0xFFFF8000  }
0x38: {  	[tilespmem:s2], [sflag:$0x1] =	stream.linear.gather [hbm4b:s15+s2], $0x8000, $0x38;
	[tilespmem:$0x18000] =	vst v63  }
0x39: {  	_ =	swait.ge [sflag:s12], $0x8000  }
0x3a: {  	[sflag:s12] =	ssyncset.done $0x0  }
0x3b: {  	[sflag:s12] =	ssyncadd.s32 $0xFFFF8000  }
0x3c: {  	[hbm4b:s13+s2] =	stream.linear.scatter [tilespmem:s14], [sflag:$0x4], $0x8000, $0x38;
	[tilespmem:$0x18000] =	vst v63  }
0x3d: {  	s26 =	sadd.s32 s10, s7  }
0x3e: {  	[hbm4b:s26+s2] =	stream.linear.scatter [tilespmem:s14], [sflag:$0x4], $0x8000, $0x38;
	[tilespmem:$0x18000] =	vst v63  }
0x3f: {  	s28 =	sadd.s32 s10, s6  }
0x40: {  	[hbm4b:s28+s2] =	stream.linear.scatter [tilespmem:s14], [sflag:$0x4], $0x8000, $0x38;
	[tilespmem:$0x18000] =	vst v63  }
0x41: {  	s5 =	smov.u32 s29;
	s29 =	sadd.s32 s10, s29  }
0x42: {  	[hbm4b:s29+s2] =	stream.linear.scatter [tilespmem:s14], [sflag:$0x4], $0x8000, $0x38;
	[tilespmem:$0x18000] =	vst v63  }
0x43: {  	_ =	swait.ge [sflag:s12], $0x8000  }
0x44: {  	[sflag:s12] =	ssyncset.done $0x0  }
0x45: {  	[sflag:s12] =	ssyncadd.s32 $0xFFFF8000  }
0x46: {  	[hbm4b:s11+s2] =	stream.linear.scatter [tilespmem:s2], [sflag:$0x2], $0x8000, $0x38;
	[tilespmem:$0x18000] =	vst v63  }
0x47: {  	s30 =	sadd.s32 s8, s7  }
0x48: {  	[hbm4b:s30+s2] =	stream.linear.scatter [tilespmem:s2], [sflag:$0x2], $0x8000, $0x38;
	[tilespmem:$0x18000] =	vst v63  }
0x49: {  	s31 =	sadd.s32 s8, s6;
	[dreg:$0x5] =	wrdreg s6  }
0x4a: {  	[hbm4b:s31+s2] =	stream.linear.scatter [tilespmem:s2], [sflag:$0x2], $0x8000, $0x38;
	[tilespmem:$0x18000] =	vst v63  }
0x4b: {  	s0 =	sadd.s32 s8, s5;
	[dreg:$0x6] =	wrdreg s5  }
0x4c: {  	[hbm4b:s0+s2] =	stream.linear.scatter [tilespmem:s2], [sflag:$0x2], $0x8000, $0x38;
	[tilespmem:$0x18000] =	vst v63  }
0x4d: {  	_ =	swait.ge [sflag:s9], $0x8000  }
0x4e: {  	[sflag:s9] =	ssyncset.done $0x0  }
0x4f: {  	[sflag:s9] =	ssyncadd.s32 $0xFFFF8000  }
0x50: {  	_ =	swait.ge [sflag:s9], $0x8000  }
0x51: {  	[sflag:s9] =	ssyncset.done $0x0  }
0x52: {  	[sflag:s9] =	ssyncadd.s32 $0xFFFF8000  }
0x53: {  	_ =	swait.ge [sflag:s9], $0x8000  }
0x54: {  	[sflag:s9] =	ssyncset.done $0x0  }
0x55: {  	[sflag:s9] =	ssyncadd.s32 $0xFFFF8000  }
0x56: {  	_ =	swait.ge [sflag:s9], $0x8000  }
0x57: {  	[sflag:s9] =	ssyncset.done $0x0  }
0x58: {  	[sflag:s9] =	ssyncadd.s32 $0xFFFF8000  }
0x59: {  	_ =	swait.ge [sflag:s4], $0x8000  }
0x5a: {  	[sflag:s4] =	ssyncset.done $0x0  }
0x5b: {  	[sflag:s4] =	ssyncadd.s32 $0xFFFF8000  }
0x5c: {  	_ =	swait.ge [sflag:s4], $0x8000  }
0x5d: {  	[sflag:s4] =	ssyncset.done $0x0  }
0x5e: {  	[sflag:s4] =	ssyncadd.s32 $0xFFFF8000  }
0x5f: {  	_ =	swait.ge [sflag:s4], $0x8000  }
0x60: {  	[sflag:s4] =	ssyncset.done $0x0  }
0x61: {  	[sflag:s4] =	ssyncadd.s32 $0xFFFF8000  }
0x62: {  	_ =	swait.ge [sflag:s4], $0x8000  }
0x63: {  	[sflag:s4] =	ssyncset.done $0x0  }
0x64: {  	[sflag:s4] =	ssyncadd.s32 $0xFFFF8000  }
0x65: {  	_ =	swait.ge [sflag:s3], $0x8000  }
0x66: {  	[sflag:s3] =	ssyncset.done $0x0  }
0x67: {  	[sflag:s3] =	ssyncadd.s32 $0xFFFF8000  }
0x68: {  	_ =	swait.ge [sflag:s3], $0x8000  }
0x69: {  	[sflag:s3] =	ssyncset.done $0x0  }
0x6a: {  	p1 =	sne.s32 s1, $0x1;
	[sflag:s3] =	ssyncadd.s32 $0xFFFF8000  }
.Ltmp1:
0x6b: {  	_ =	swait.ge [sflag:s3], $0x8000;
	(pc) =	sbr.rel @!p1 .LBB2_2-.Ltmp1, $4  }
0x6c: {  	[sflag:s3] =	ssyncset.done $0x0  }
0x6d: {  	[sflag:s3] =	ssyncadd.s32 $0xFFFF8000  }
0x6e: {  	s1 =	sadd.s32 $0xFFFFFFFF, s1;
	_ =	swait.ge [sflag:s3], $0x8000  }
0x6f: {  	p0 =	por $0x1, $0x1;
	s5 =	rddreg [dreg:$0x3];
	[sflag:s3] =	ssyncset.done $0x0  }
.LBB2_3:
0x70: {  	[sflag:s3] =	ssyncadd.s32 $0xFFFF8000  }
0x71: {  	[tilespmem:s2], [sflag:$0x1] =	stream.linear.gather [hbm4b:s5+s2], $0x8000, $0x38;
	[tilespmem:$0x18000] =	vst v63  }
0x72: {  	s6 =	rddreg [dreg:$0x4]  }
0x73: {  	[tilespmem:s19], [sflag:$0x1] =	stream.linear.gather [hbm4b:s6+s2], $0x8000, $0x38;
	[tilespmem:$0x18000] =	vst v63  }
0x74: {  	_ =	swait.ge [sflag:s12], $0x8000  }
0x75: {  	[sflag:s12] =	ssyncset.done $0x0  }
0x76: {  	[sflag:s12] =	ssyncadd.s32 $0xFFFF8000  }
0x77: {  	[hbm4b:s17+s2] =	stream.linear.scatter [tilespmem:s2], [sflag:$0x2], $0x8000, $0x38;
	[tilespmem:$0x18000] =	vst v63  }
0x78: {  	_ = 	snop  }
0x79: {  	[hbm4b:s23+s2] =	stream.linear.scatter [tilespmem:s2], [sflag:$0x2], $0x8000, $0x38;
	[tilespmem:$0x18000] =	vst v63  }
0x7a: {  	_ = 	snop  }
0x7b: {  	[hbm4b:s24+s2] =	stream.linear.scatter [tilespmem:s2], [sflag:$0x2], $0x8000, $0x38;
	[tilespmem:$0x18000] =	vst v63  }
0x7c: {  	_ = 	snop  }
0x7d: {  	[hbm4b:s25+s2] =	stream.linear.scatter [tilespmem:s2], [sflag:$0x2], $0x8000, $0x38;
	[tilespmem:$0x18000] =	vst v63  }
0x7e: {  	_ = 	snop  }
0x7f: {  	[tilespmem:s14], [sflag:$0x1] =	stream.linear.gather [hbm4b:s18+s2], $0x8000, $0x38;
	[tilespmem:$0x18000] =	vst v63  }
0x80: {  	_ =	swait.ge [sflag:s12], $0x8000  }
0x81: {  	[sflag:s12] =	ssyncset.done $0x0  }
0x82: {  	[sflag:s12] =	ssyncadd.s32 $0xFFFF8000  }
0x83: {  	[hbm4b:s16+s2] =	stream.linear.scatter [tilespmem:s19], [sflag:$0x3], $0x8000, $0x38;
	[tilespmem:$0x18000] =	vst v63  }
0x84: {  	_ = 	snop  }
0x85: {  	[hbm4b:s20+s2] =	stream.linear.scatter [tilespmem:s19], [sflag:$0x3], $0x8000, $0x38;
	[tilespmem:$0x18000] =	vst v63  }
0x86: {  	_ = 	snop  }
0x87: {  	[hbm4b:s21+s2] =	stream.linear.scatter [tilespmem:s19], [sflag:$0x3], $0x8000, $0x38;
	[tilespmem:$0x18000] =	vst v63  }
0x88: {  	_ = 	snop  }
0x89: {  	[hbm4b:s22+s2] =	stream.linear.scatter [tilespmem:s19], [sflag:$0x3], $0x8000, $0x38;
	[tilespmem:$0x18000] =	vst v63  }
0x8a: {  	_ =	swait.ge [sflag:s3], $0x8000  }
0x8b: {  	[sflag:s3] =	ssyncset.done $0x0  }
0x8c: {  	[sflag:s3] =	ssyncadd.s32 $0xFFFF8000  }
0x8d: {  	_ =	swait.ge [sflag:s3], $0x8000  }
0x8e: {  	[sflag:s3] =	ssyncset.done $0x0  }
0x8f: {  	[sflag:s3] =	ssyncadd.s32 $0xFFFF8000  }
0x90: {  	_ =	swait.ge [sflag:s3], $0x8000  }
0x91: {  	[sflag:s3] =	ssyncset.done $0x0  }
0x92: {  	[sflag:s3] =	ssyncadd.s32 $0xFFFF8000  }
0x93: {  	_ =	swait.ge [sflag:s3], $0x8000  }
0x94: {  	[sflag:s3] =	ssyncset.done $0x0  }
0x95: {  	[sflag:s3] =	ssyncadd.s32 $0xFFFF8000  }
0x96: {  	[tilespmem:s2], [sflag:$0x1] =	stream.linear.gather [hbm4b:s15+s2], $0x8000, $0x38;
	[tilespmem:$0x18000] =	vst v63  }
0x97: {  	_ =	swait.ge [sflag:s12], $0x8000  }
0x98: {  	[sflag:s12] =	ssyncset.done $0x0  }
0x99: {  	[sflag:s12] =	ssyncadd.s32 $0xFFFF8000  }
0x9a: {  	[hbm4b:s13+s2] =	stream.linear.scatter [tilespmem:s14], [sflag:$0x4], $0x8000, $0x38;
	[tilespmem:$0x18000] =	vst v63  }
0x9b: {  	_ = 	snop  }
0x9c: {  	[hbm4b:s26+s2] =	stream.linear.scatter [tilespmem:s14], [sflag:$0x4], $0x8000, $0x38;
	[tilespmem:$0x18000] =	vst v63  }
0x9d: {  	_ = 	snop  }
0x9e: {  	[hbm4b:s28+s2] =	stream.linear.scatter [tilespmem:s14], [sflag:$0x4], $0x8000, $0x38;
	[tilespmem:$0x18000] =	vst v63  }
0x9f: {  	_ = 	snop  }
0xa0: {  	[hbm4b:s29+s2] =	stream.linear.scatter [tilespmem:s14], [sflag:$0x4], $0x8000, $0x38;
	[tilespmem:$0x18000] =	vst v63  }
0xa1: {  	_ =	swait.ge [sflag:s12], $0x8000  }
0xa2: {  	[sflag:s12] =	ssyncset.done $0x0  }
0xa3: {  	[sflag:s12] =	ssyncadd.s32 $0xFFFF8000  }
0xa4: {  	[hbm4b:s11+s2] =	stream.linear.scatter [tilespmem:s2], [sflag:$0x2], $0x8000, $0x38;
	[tilespmem:$0x18000] =	vst v63  }
0xa5: {  	_ = 	snop  }
0xa6: {  	[hbm4b:s30+s2] =	stream.linear.scatter [tilespmem:s2], [sflag:$0x2], $0x8000, $0x38;
	[tilespmem:$0x18000] =	vst v63  }
0xa7: {  	_ = 	snop  }
0xa8: {  	[hbm4b:s31+s2] =	stream.linear.scatter [tilespmem:s2], [sflag:$0x2], $0x8000, $0x38;
	[tilespmem:$0x18000] =	vst v63  }
0xa9: {  	_ = 	snop  }
0xaa: {  	[hbm4b:s0+s2] =	stream.linear.scatter [tilespmem:s2], [sflag:$0x2], $0x8000, $0x38;
	[tilespmem:$0x18000] =	vst v63  }
0xab: {  	_ =	swait.ge [sflag:s9], $0x8000  }
0xac: {  	[sflag:s9] =	ssyncset.done $0x0  }
0xad: {  	[sflag:s9] =	ssyncadd.s32 $0xFFFF8000  }
0xae: {  	_ =	swait.ge [sflag:s9], $0x8000  }
0xaf: {  	[sflag:s9] =	ssyncset.done $0x0  }
0xb0: {  	[sflag:s9] =	ssyncadd.s32 $0xFFFF8000  }
0xb1: {  	_ =	swait.ge [sflag:s9], $0x8000  }
0xb2: {  	[sflag:s9] =	ssyncset.done $0x0  }
0xb3: {  	[sflag:s9] =	ssyncadd.s32 $0xFFFF8000  }
0xb4: {  	_ =	swait.ge [sflag:s9], $0x8000  }
0xb5: {  	[sflag:s9] =	ssyncset.done $0x0  }
0xb6: {  	[sflag:s9] =	ssyncadd.s32 $0xFFFF8000  }
0xb7: {  	_ =	swait.ge [sflag:s4], $0x8000  }
0xb8: {  	[sflag:s4] =	ssyncset.done $0x0  }
0xb9: {  	[sflag:s4] =	ssyncadd.s32 $0xFFFF8000  }
0xba: {  	_ =	swait.ge [sflag:s4], $0x8000  }
0xbb: {  	[sflag:s4] =	ssyncset.done $0x0  }
0xbc: {  	[sflag:s4] =	ssyncadd.s32 $0xFFFF8000  }
0xbd: {  	_ =	swait.ge [sflag:s4], $0x8000  }
0xbe: {  	[sflag:s4] =	ssyncset.done $0x0  }
0xbf: {  	[sflag:s4] =	ssyncadd.s32 $0xFFFF8000  }
0xc0: {  	_ =	swait.ge [sflag:s4], $0x8000  }
0xc1: {  	[sflag:s4] =	ssyncset.done $0x0  }
0xc2: {  	[sflag:s4] =	ssyncadd.s32 $0xFFFF8000  }
0xc3: {  	_ =	swait.ge [sflag:s3], $0x8000  }
0xc4: {  	[sflag:s3] =	ssyncset.done $0x0  }
0xc5: {  	[sflag:s3] =	ssyncadd.s32 $0xFFFF8000  }
0xc6: {  	_ =	swait.ge [sflag:s3], $0x8000  }
0xc7: {  	[sflag:s3] =	ssyncset.done $0x0  }
0xc8: {  	p1 =	sne.s32 s1, $0x1;
	[sflag:s3] =	ssyncadd.s32 $0xFFFF8000  }
.Ltmp2:
0xc9: {  	_ =	swait.ge [sflag:s3], $0x8000;
	(pc) =	sbr.rel @p1 .LBB2_3-.Ltmp2, $4  }
0xca: {  	[sflag:s3] =	ssyncset.done $0x0  }
0xcb: {  	[sflag:s3] =	ssyncadd.s32 $0xFFFF8000  }
0xcc: {  	_ =	swait.ge [sflag:s3], $0x8000  }
0xcd: {  	s1 =	sadd.s32 $0xFFFFFFFF, s1;
	s5 =	rddreg [dreg:$0x3];
	[sflag:s3] =	ssyncset.done $0x0  }
0xce: {  	s26 =	rddreg [dreg:$0x2]  }
0xcf: {  	s6 =	rddreg [dreg:$0x5]  }
0xd0: {  	s28 =	stileid.u32;
	s29 =	rddreg [dreg:$0x6]  }
.LBB2_5:
0xd1: {  	[sflag:s3] =	ssyncadd.s32 @p0 $0xFFFF8000  }
0xd2: {  	[tilespmem:s2], [sflag:$0x1] =	stream.linear.gather [hbm4b:s5+s2], $0x8000, $0x38;
	[tilespmem:$0x18000] =	vst v63  }
0xd3: {  	s0 =	rddreg [dreg:$0x4]  }
0xd4: {  	[tilespmem:s19], [sflag:$0x1] =	stream.linear.gather [hbm4b:s0+s2], $0x8000, $0x38;
	[tilespmem:$0x18000] =	vst v63  }
0xd5: {  	_ =	swait.ge [sflag:s12], $0x8000  }
0xd6: {  	[sflag:s12] =	ssyncset.done $0x0  }
0xd7: {  	[sflag:s12] =	ssyncadd.s32 $0xFFFF8000  }
0xd8: {  	[hbm4b:s17+s2] =	stream.linear.scatter [tilespmem:s2], [sflag:$0x2], $0x8000, $0x38;
	[tilespmem:$0x18000] =	vst v63  }
0xd9: {  	_ = 	snop  }
0xda: {  	[hbm4b:s23+s2] =	stream.linear.scatter [tilespmem:s2], [sflag:$0x2], $0x8000, $0x38;
	[tilespmem:$0x18000] =	vst v63  }
0xdb: {  	_ = 	snop  }
0xdc: {  	[hbm4b:s24+s2] =	stream.linear.scatter [tilespmem:s2], [sflag:$0x2], $0x8000, $0x38;
	[tilespmem:$0x18000] =	vst v63  }
0xdd: {  	_ = 	snop  }
0xde: {  	[hbm4b:s25+s2] =	stream.linear.scatter [tilespmem:s2], [sflag:$0x2], $0x8000, $0x38;
	[tilespmem:$0x18000] =	vst v63  }
0xdf: {  	_ = 	snop  }
0xe0: {  	[tilespmem:s14], [sflag:$0x1] =	stream.linear.gather [hbm4b:s18+s2], $0x8000, $0x38;
	[tilespmem:$0x18000] =	vst v63  }
0xe1: {  	_ =	swait.ge [sflag:s12], $0x8000  }
0xe2: {  	[sflag:s12] =	ssyncset.done $0x0  }
0xe3: {  	[sflag:s12] =	ssyncadd.s32 $0xFFFF8000  }
0xe4: {  	[hbm4b:s16+s2] =	stream.linear.scatter [tilespmem:s19], [sflag:$0x3], $0x8000, $0x38;
	[tilespmem:$0x18000] =	vst v63  }
0xe5: {  	_ = 	snop  }
0xe6: {  	[hbm4b:s20+s2] =	stream.linear.scatter [tilespmem:s19], [sflag:$0x3], $0x8000, $0x38;
	[tilespmem:$0x18000] =	vst v63  }
0xe7: {  	_ = 	snop  }
0xe8: {  	[hbm4b:s21+s2] =	stream.linear.scatter [tilespmem:s19], [sflag:$0x3], $0x8000, $0x38;
	[tilespmem:$0x18000] =	vst v63  }
0xe9: {  	_ = 	snop  }
0xea: {  	[hbm4b:s22+s2] =	stream.linear.scatter [tilespmem:s19], [sflag:$0x3], $0x8000, $0x38;
	[tilespmem:$0x18000] =	vst v63  }
0xeb: {  	_ =	swait.ge [sflag:s3], $0x8000  }
0xec: {  	[sflag:s3] =	ssyncset.done $0x0  }
0xed: {  	[sflag:s3] =	ssyncadd.s32 $0xFFFF8000  }
0xee: {  	_ =	swait.ge [sflag:s3], $0x8000  }
0xef: {  	[sflag:s3] =	ssyncset.done $0x0  }
0xf0: {  	[sflag:s3] =	ssyncadd.s32 $0xFFFF8000  }
0xf1: {  	_ =	swait.ge [sflag:s3], $0x8000  }
0xf2: {  	[sflag:s3] =	ssyncset.done $0x0  }
0xf3: {  	[sflag:s3] =	ssyncadd.s32 $0xFFFF8000  }
0xf4: {  	_ =	swait.ge [sflag:s3], $0x8000  }
0xf5: {  	[sflag:s3] =	ssyncset.done $0x0  }
0xf6: {  	[sflag:s3] =	ssyncadd.s32 $0xFFFF8000  }
0xf7: {  	[tilespmem:s2], [sflag:$0x1] =	stream.linear.gather [hbm4b:s15+s2], $0x8000, $0x38;
	[tilespmem:$0x18000] =	vst v63  }
0xf8: {  	_ =	swait.ge [sflag:s12], $0x8000  }
0xf9: {  	[sflag:s12] =	ssyncset.done $0x0  }
0xfa: {  	[sflag:s12] =	ssyncadd.s32 $0xFFFF8000  }
0xfb: {  	[hbm4b:s13+s2] =	stream.linear.scatter [tilespmem:s14], [sflag:$0x4], $0x8000, $0x38;
	[tilespmem:$0x18000] =	vst v63  }
0xfc: {  	s22 =	sadd.s32 s10, s7  }
0xfd: {  	[hbm4b:s22+s2] =	stream.linear.scatter [tilespmem:s14], [sflag:$0x4], $0x8000, $0x38;
	[tilespmem:$0x18000] =	vst v63  }
0xfe: {  	s23 =	sadd.s32 s10, s6  }
0xff: {  	[hbm4b:s23+s2] =	stream.linear.scatter [tilespmem:s14], [sflag:$0x4], $0x8000, $0x38;
	[tilespmem:$0x18000] =	vst v63  }
0x100: {  	s24 =	sadd.s32 s10, s29  }
0x101: {  	[hbm4b:s24+s2] =	stream.linear.scatter [tilespmem:s14], [sflag:$0x4], $0x8000, $0x38;
	[tilespmem:$0x18000] =	vst v63  }
0x102: {  	_ =	swait.ge [sflag:s12], $0x8000  }
0x103: {  	[sflag:s12] =	ssyncset.done $0x0  }
0x104: {  	[sflag:s12] =	ssyncadd.s32 $0xFFFF8000  }
0x105: {  	[hbm4b:s11+s2] =	stream.linear.scatter [tilespmem:s2], [sflag:$0x2], $0x8000, $0x38;
	[tilespmem:$0x18000] =	vst v63  }
0x106: {  	s25 =	sadd.s32 s8, s7  }
0x107: {  	[hbm4b:s25+s2] =	stream.linear.scatter [tilespmem:s2], [sflag:$0x2], $0x8000, $0x38;
	[tilespmem:$0x18000] =	vst v63  }
0x108: {  	s30 =	sadd.s32 s8, s6  }
0x109: {  	[hbm4b:s30+s2] =	stream.linear.scatter [tilespmem:s2], [sflag:$0x2], $0x8000, $0x38;
	[tilespmem:$0x18000] =	vst v63  }
0x10a: {  	s31 =	sadd.s32 s8, s29  }
0x10b: {  	[hbm4b:s31+s2] =	stream.linear.scatter [tilespmem:s2], [sflag:$0x2], $0x8000, $0x38;
	[tilespmem:$0x18000] =	vst v63  }
0x10c: {  	_ =	swait.ge [sflag:s9], $0x8000  }
0x10d: {  	[sflag:s9] =	ssyncset.done $0x0  }
0x10e: {  	[sflag:s9] =	ssyncadd.s32 $0xFFFF8000  }
0x10f: {  	_ =	swait.ge [sflag:s9], $0x8000  }
0x110: {  	[sflag:s9] =	ssyncset.done $0x0  }
0x111: {  	[sflag:s9] =	ssyncadd.s32 $0xFFFF8000  }
0x112: {  	_ =	swait.ge [sflag:s9], $0x8000  }
0x113: {  	[sflag:s9] =	ssyncset.done $0x0  }
0x114: {  	[sflag:s9] =	ssyncadd.s32 $0xFFFF8000  }
0x115: {  	_ =	swait.ge [sflag:s9], $0x8000  }
0x116: {  	[sflag:s9] =	ssyncset.done $0x0  }
0x117: {  	[sflag:s9] =	ssyncadd.s32 $0xFFFF8000  }
0x118: {  	_ =	swait.ge [sflag:s4], $0x8000  }
0x119: {  	[sflag:s4] =	ssyncset.done $0x0  }
0x11a: {  	[sflag:s4] =	ssyncadd.s32 $0xFFFF8000  }
0x11b: {  	_ =	swait.ge [sflag:s4], $0x8000  }
0x11c: {  	[sflag:s4] =	ssyncset.done $0x0  }
0x11d: {  	[sflag:s4] =	ssyncadd.s32 $0xFFFF8000  }
0x11e: {  	_ =	swait.ge [sflag:s4], $0x8000  }
0x11f: {  	[sflag:s4] =	ssyncset.done $0x0  }
0x120: {  	[sflag:s4] =	ssyncadd.s32 $0xFFFF8000  }
0x121: {  	_ =	swait.ge [sflag:s4], $0x8000  }
0x122: {  	[sflag:s4] =	ssyncset.done $0x0  }
0x123: {  	[sflag:s4] =	ssyncadd.s32 $0xFFFF8000  }
0x124: {  	_ =	swait.ge [sflag:s3], $0x8000  }
0x125: {  	[sflag:s3] =	ssyncset.done $0x0  }
0x126: {  	[sflag:s3] =	ssyncadd.s32 $0xFFFF8000  }
0x127: {  	_ =	swait.ge [sflag:s3], $0x8000  }
0x128: {  	[sflag:s3] =	ssyncset.done $0x0  }
0x129: {  	[sflag:s3] =	ssyncadd.s32 $0xFFFF8000  }
0x12a: {  	_ =	swait.ge [sflag:s3], $0x8000  }
0x12b: {  	[sflag:s3] =	ssyncset.done $0x0  }
0x12c: {  	[sflag:s3] =	ssyncadd.s32 $0xFFFF8000  }
0x12d: {  	_ =	swait.ge [sflag:s3], $0x8000  }
0x12e: {  	[sflag:s3] =	ssyncset.done $0x0  }
0x12f: {  	[sflag:s3] =	ssyncadd.s32 $0xFFFF8000  }
0x130: {  	_ =	sfence.sel $0x180000  }
0x131: {  	[bflag:$0x0] =	sbarrier.arrive $0xFFFF  }
0x132: {  	p0 =	sne.s32 s28, $0x0;
	_ =	strace $0x90000047  }
0x133: {  	s0 =	sadd.s32 @!p0 $0x100000, s26;
	[bflag:$0x2] =	sbarrier.arrive $0xFFFF  }
0x134: {  	[sflag:s0] =	ssyncadd.tile.s32 @!p0 $0x1;
	_ =	shalt  }
.LBB2_2:
.Ltmp3:
0x135: {  	(pc) =	sbr.rel .LBB2_5-.Ltmp3, $4  }
0x136: {  	_ = 	snop  }
0x137: {  	s26 =	rddreg [dreg:$0x2]  }
0x138: {  	s6 =	rddreg [dreg:$0x5]  }
0x139: {  	s28 =	stileid.u32;
	s29 =	rddreg [dreg:$0x6]  }
.Lfunc_end2:
_tile_overlayer_lowered:
.L_overlay_start_2:
0x13a: {  	(tag) =	ssettag $0x2  }
0x13b: {  	s0 =	rddreg [dreg:$0x0];
	s2 =	stileid.u32  }
0x13c: {  	s1 =	rddreg [dreg:$0x1];
	p0 =	sne.s32 s2, $0x0  }
0x13d: {  	s3 =	rddreg [dreg:$0x2];
	[bflag:$0x3] =	sbarrier.arrive $0xFFFF;
	s2 =	simm.s32 @!p0 $0x1C05  }
0x13e: {  	[timem:s3], [sflag:s2] =	dma.local @!p0 [hbm:s0], s1  }
0x13f: {  	s0 =	simm.s32 @!p0 $0x5  }
0x140: {  	_ =	swait.ge @!p0 [sflag:s0], s1  }
0x141: {  	s1 =	ssub.s32 @!p0 $0x0, s1;
	[sflag:s0] =	ssyncset.done @!p0 $0x0  }
0x142: {  	[sflag:s0] =	ssyncadd.s32 @!p0 s1  }
0x143: {  	[bflag:$0x3] =	sbarrier.arrive $0xFFFF  }
0x144: {  	_ =	shalt  }

</sc_bundles>
